<compile_context>
chip_gen: v7x
topology: tpu7x:2x2x1
jax: 0.10.2.dev20260603
libtpu: 0.0.44.dev20260713+nightly
codegen_flags: <defaults>
</compile_context>

<pallas_src>
import functools

import jax
import jax.numpy as jnp
from jax import lax
from jax.experimental import pallas as pl
from jax.experimental.pallas import tpu as pltpu
from jax.experimental.pallas import tpu_sc as plsc

N = 10000
E = 160000
D = 128
H = 128
C = 16

NC = 2
NS = 16
LANES = 128
ROWS_PER_TILE = 640
NPAD = NS * ROWS_PER_TILE
EPT = E // NS
KB = 16
NCHUNK = ((-(-EPT // LANES) + KB - 1) // KB) * KB
NBLK = NCHUNK // KB
EPT_PAD = NCHUNK * LANES
PADLEN = EPT_PAD * NS - E
NBUF = 2
KD = 8

_mesh = plsc.VectorSubcoreMesh(
    core_axis_name="c", subcore_axis_name="s", num_cores=NC, num_subcores=NS)



@functools.partial(
    pl.kernel,
    out_type=jax.ShapeDtypeStruct((NC, 2, NS, ROWS_PER_TILE, H), jnp.float32),
    mesh=_mesh,
    scratch_types=[
        pltpu.VMEM((NCHUNK, LANES), jnp.int32),
        pltpu.VMEM((LANES, H), jnp.float32),
        pltpu.VMEM_SHARED((NPAD, H), jnp.float32),
        pltpu.SemaphoreType.DMA((KD,)),
    ],
)
def _degree_kernel(idx_hbm, ones_hbm, zeros_hbm, out_hbm,
                   idx_v, ones_v, hist, dsem):
    c = lax.axis_index("c")
    s = lax.axis_index("s")
    base = s * ROWS_PER_TILE
    pltpu.sync_copy(ones_hbm, ones_v)
    for t in range(2):
        pltpu.sync_copy(zeros_hbm, hist.at[pl.ds(base, ROWS_PER_TILE)])
        pltpu.sync_copy(idx_hbm.at[c, t, s], idx_v)
        plsc.subcore_barrier()

        @pl.loop(0, NCHUNK)
        def _(j):
            b = lax.rem(j, KD)

            @pl.when(j >= KD)
            def _():
                pltpu.make_async_copy(
                    ones_v, hist.at[idx_v.at[j]], dsem.at[b]).wait()

            pltpu.async_copy(ones_v, hist.at[idx_v.at[j]], dsem.at[b],
                             add=True)

        for b in range(min(KD, NCHUNK)):
            pltpu.make_async_copy(ones_v, hist.at[idx_v.at[0]],
                                  dsem.at[b]).wait()

        plsc.subcore_barrier()
        pltpu.sync_copy(hist.at[pl.ds(base, ROWS_PER_TILE)],
                        out_hbm.at[c, t, s])


@functools.partial(
    pl.kernel,
    out_type=jax.ShapeDtypeStruct((NC, NS, ROWS_PER_TILE, H), jnp.float32),
    mesh=_mesh,
    scratch_types=[
        pltpu.VMEM((2, 2, KB, LANES), jnp.int32),
        pltpu.VMEM((NBUF, LANES, H), jnp.float32),
        pltpu.VMEM_SHARED((NPAD, H), jnp.float32),
        pltpu.SemaphoreType.DMA((2,)),
        pltpu.SemaphoreType.DMA,
        pltpu.SemaphoreType.DMA((NBUF,)),
    ],
)
def _propagate_kernel(y_hbm, idx_hbm, zeros_hbm, out_hbm,
                      idx_v, msg_v, agg, ibsem, gsem, ssem):
    c = lax.axis_index("c")
    s = lax.axis_index("s")
    base = s * ROWS_PER_TILE
    pltpu.sync_copy(zeros_hbm, agg.at[pl.ds(base, ROWS_PER_TILE)])
    pltpu.sync_copy(idx_hbm.at[c, s, 0], idx_v.at[0])
    plsc.subcore_barrier()
    pltpu.async_copy(idx_hbm.at[c, s, 1], idx_v.at[1], ibsem.at[1])

    @pl.loop(0, NCHUNK)
    def _(j):
        b = j & (NBUF - 1)
        m = j >> 4
        k = j & (KB - 1)
        ms = m & 1

        @pl.when((k == 0) & (j > 0))
        def _():
            pltpu.make_async_copy(
                idx_hbm.at[c, s, m], idx_v.at[ms], ibsem.at[ms]).wait()

        @pl.when(j >= NBUF)
        def _():
            pltpu.make_async_copy(
                msg_v.at[b], agg.at[idx_v.at[0, 1, 0]], ssem.at[b]).wait()

        @pl.when((k == 1) & (m + 1 < NBLK))
        def _():
            nxt = (m + 1) & 1
            pltpu.async_copy(idx_hbm.at[c, s, m + 1], idx_v.at[nxt],
                             ibsem.at[nxt])

        pltpu.async_copy(y_hbm.at[idx_v.at[ms, 0, k]], msg_v.at[b],
                         gsem).wait()
        pltpu.async_copy(msg_v.at[b], agg.at[idx_v.at[ms, 1, k]],
                         ssem.at[b], add=True)

    for b in range(NBUF):
        pltpu.make_async_copy(
            msg_v.at[b], agg.at[idx_v.at[0, 1, 0]], ssem.at[b]).wait()

    plsc.subcore_barrier()
    pltpu.sync_copy(agg.at[pl.ds(base, ROWS_PER_TILE)], out_hbm.at[c, s])



R = 400
G = N // R


def _prep0_body(x_ref, do0_ref, do1_ref, w0_ref, w1_ref, y_ref):
    x = x_ref[...]
    r0 = lax.rsqrt(jnp.maximum(do0_ref[...], 1.0))
    r1 = lax.rsqrt(jnp.maximum(do1_ref[...], 1.0))
    y_ref[0] = jnp.dot(x * r0, w0_ref[...], preferred_element_type=jnp.float32)
    y_ref[1] = jnp.dot(x * r1, w1_ref[...], preferred_element_type=jnp.float32)


def _mid_body(a_ref, di0_ref, di1_ref, do0_ref, do1_ref,
              b0_ref, b1_ref, w0_ref, w1_ref, y_ref):
    ri0 = lax.rsqrt(jnp.maximum(di0_ref[...], 1.0))
    ri1 = lax.rsqrt(jnp.maximum(di1_ref[...], 1.0))
    h = jnp.maximum(
        a_ref[0] * ri0 + b0_ref[...] + a_ref[1] * ri1 + b1_ref[...], 0.0)
    ro0 = lax.rsqrt(jnp.maximum(do0_ref[...], 1.0))
    ro1 = lax.rsqrt(jnp.maximum(do1_ref[...], 1.0))
    y_ref[0] = jnp.dot(h * ro0, w0_ref[...], preferred_element_type=jnp.float32)
    y_ref[1] = jnp.dot(h * ro1, w1_ref[...], preferred_element_type=jnp.float32)


def _final_body(a_ref, di0_ref, di1_ref, b0_ref, b1_ref, wc_ref, bc_ref,
                out_ref, acc_ref):
    i = pl.program_id(0)
    ri0 = lax.rsqrt(jnp.maximum(di0_ref[...], 1.0))
    ri1 = lax.rsqrt(jnp.maximum(di1_ref[...], 1.0))
    h = jnp.maximum(
        a_ref[0] * ri0 + b0_ref[...] + a_ref[1] * ri1 + b1_ref[...], 0.0)

    @pl.when(i == 0)
    def _():
        acc_ref[...] = jnp.zeros_like(acc_ref)

    acc_ref[...] += jnp.sum(h, axis=0, keepdims=True)

    @pl.when(i == G - 1)
    def _():
        out_ref[...] = jnp.dot(acc_ref[...] * (1.0 / N), wc_ref[...],
                               preferred_element_type=jnp.float32) + bc_ref[...]


_row_spec = pl.BlockSpec((R, 1), lambda i: (i, 0))
_pair_in_spec = pl.BlockSpec((2, R, H), lambda i: (0, i, 0))
_pair_out_spec = pl.BlockSpec((2, R, H), lambda i: (0, i, 0))
_bias_spec = pl.BlockSpec((1, H), lambda i: (0, 0))
_w_spec = pl.BlockSpec((H, H), lambda i: (0, 0))


def _prep0(x, do0, do1, w0, w1):
    return pl.pallas_call(
        _prep0_body,
        grid=(G,),
        in_specs=[pl.BlockSpec((R, D), lambda i: (i, 0)),
                  _row_spec, _row_spec, _w_spec, _w_spec],
        out_specs=_pair_out_spec,
        out_shape=jax.ShapeDtypeStruct((2, NPAD, H), jnp.float32),
    )(x, do0, do1, w0, w1)


def _mid(a, di0, di1, do0, do1, b0, b1, w0, w1):
    return pl.pallas_call(
        _mid_body,
        grid=(G,),
        in_specs=[_pair_in_spec,
                  _row_spec, _row_spec, _row_spec, _row_spec,
                  _bias_spec, _bias_spec, _w_spec, _w_spec],
        out_specs=_pair_out_spec,
        out_shape=jax.ShapeDtypeStruct((2, NPAD, H), jnp.float32),
    )(a, di0, di1, do0, do1, b0, b1, w0, w1)


def _final(a, di0, di1, b0, b1, wc, bc):
    return pl.pallas_call(
        _final_body,
        grid=(G,),
        in_specs=[_pair_in_spec,
                  _row_spec, _row_spec,
                  _bias_spec, _bias_spec,
                  pl.BlockSpec((H, C), lambda i: (0, 0)),
                  pl.BlockSpec((1, C), lambda i: (0, 0))],
        out_specs=pl.BlockSpec((1, C), lambda i: (0, 0)),
        out_shape=jax.ShapeDtypeStruct((1, C), jnp.float32),
        scratch_shapes=[pltpu.VMEM((1, H), jnp.float32)],
    )(a, di0, di1, b0, b1, wc, bc)



def _pad_idx(v):
    pad = N + jnp.arange(PADLEN, dtype=jnp.int32) % (NPAD - N)
    return jnp.concatenate([v, pad]).reshape(NS, NCHUNK, LANES)


def kernel(features, edge_index_r0, edge_index_r1,
           W0_r0, b0_r0, W0_r1, b0_r1,
           W1_r0, b1_r0, W1_r1, b1_r1,
           Wc, bc):
    s0, d0 = edge_index_r0[0], edge_index_r0[1]
    s1, d1 = edge_index_r1[0], edge_index_r1[1]

    p0, q0 = _pad_idx(s0), _pad_idx(d0)
    p1, q1 = _pad_idx(s1), _pad_idx(d1)
    deg_idx = jnp.stack([jnp.stack([p0, q0]), jnp.stack([p1, q1])])
    ones_in = jnp.ones((LANES, H), jnp.float32)
    zeros_h = jnp.zeros((ROWS_PER_TILE, H), jnp.float32)
    deg = _degree_kernel(deg_idx, ones_in, zeros_h)
    deg = deg.reshape(NC, 2, NPAD, H)
    do0 = deg[0, 0, :, 0:1]
    di0 = deg[0, 1, :, 0:1]
    do1 = deg[1, 0, :, 0:1]
    di1 = deg[1, 1, :, 0:1]

    src_prop = jnp.stack([p0, p1 + NPAD])
    dst_prop = jnp.stack([q0, q1])
    prop_idx = jnp.stack([
        src_prop.reshape(NC, NS, NBLK, KB, LANES),
        dst_prop.reshape(NC, NS, NBLK, KB, LANES),
    ], axis=3)

    b0_r0_ = b0_r0.reshape(1, H)
    b0_r1_ = b0_r1.reshape(1, H)
    b1_r0_ = b1_r0.reshape(1, H)
    b1_r1_ = b1_r1.reshape(1, H)
    bc_ = bc.reshape(1, C)

    y0 = _prep0(features, do0, do1, W0_r0, W0_r1)
    a0 = _propagate_kernel(y0.reshape(2 * NPAD, H), prop_idx, zeros_h)
    a0 = a0.reshape(NC, NPAD, H)

    y1 = _mid(a0, di0, di1, do0, do1, b0_r0_, b0_r1_, W1_r0, W1_r1)
    a1 = _propagate_kernel(y1.reshape(2 * NPAD, H), prop_idx, zeros_h)
    a1 = a1.reshape(NC, NPAD, H)

    return _final(a1, di0, di1, b1_r0_, b1_r1_, Wc, bc_)

# --- scband reference (transcript-rebuilt; emitter-appended) ---
"""Pipeline reference for scband-classifier-36618891166176 (READ-ONLY COPY).

The authoritative reference and input builder live on the scoring server;
editing this copy changes nothing except your own understanding.
"""

import jax, jax.numpy as jnp
import numpy as np

N = 10000   # n_nodes
E = 160000  # edges per relation (2 relations)
D = 128     # in_feats
H = 128     # n_hidden
C = 16      # n_classes


def setup_inputs(seed: int = 0) -> dict:
    key = jax.random.key(seed)
    ks = jax.random.split(key, 16)
    inp = {}
    inp["features"] = jax.random.normal(ks[0], (N, D), dtype=jnp.float32)
    inp["edge_index_r0"] = jax.random.randint(ks[1], (2, E), 0, N, dtype=jnp.int32)
    inp["edge_index_r1"] = jax.random.randint(ks[2], (2, E), 0, N, dtype=jnp.int32)
    s = 1.0 / np.sqrt(D)
    sh = 1.0 / np.sqrt(H)
    # layer 0 per-relation GraphConv weights (in_feats -> n_hidden)
    inp["W0_r0"] = jax.random.normal(ks[3], (D, H), dtype=jnp.float32) * s
    inp["b0_r0"] = jnp.zeros((H,), dtype=jnp.float32)
    inp["W0_r1"] = jax.random.normal(ks[4], (D, H), dtype=jnp.float32) * s
    inp["b0_r1"] = jnp.zeros((H,), dtype=jnp.float32)
    # layer 1 per-relation GraphConv weights (n_hidden -> n_hidden)
    inp["W1_r0"] = jax.random.normal(ks[5], (H, H), dtype=jnp.float32) * sh
    inp["b1_r0"] = jnp.zeros((H,), dtype=jnp.float32)
    inp["W1_r1"] = jax.random.normal(ks[6], (H, H), dtype=jnp.float32) * sh
    inp["b1_r1"] = jnp.zeros((H,), dtype=jnp.float32)
    # classifier
    inp["Wc"] = jax.random.normal(ks[7], (H, C), dtype=jnp.float32) * sh
    inp["bc"] = jnp.zeros((C,), dtype=jnp.float32)
    return inp


def _graph_conv(x, src, dst, W, b):
    # DGL GraphConv with norm='both', allow_zero_in_degree=True:
    # out = D_in^{-1/2} A D_out^{-1/2} x W + b  (degrees clamped to min 1)
    deg_out = jnp.clip(jnp.zeros((N,), jnp.float32).at[src].add(1.0), 1.0, None)
    deg_in = jnp.clip(jnp.zeros((N,), jnp.float32).at[dst].add(1.0), 1.0, None)
    h = x * jax.lax.rsqrt(deg_out)[:, None]
    msg = jnp.take(h, src, axis=0)
    agg = jax.ops.segment_sum(msg, dst, num_segments=N)
    agg = agg * jax.lax.rsqrt(deg_in)[:, None]
    return agg @ W + b


def reference(features, edge_index_r0, edge_index_r1,
              W0_r0, b0_r0, W0_r1, b0_r1,
              W1_r0, b1_r0, W1_r1, b1_r1,
              Wc, bc):
    s0, d0 = edge_index_r0[0], edge_index_r0[1]
    s1, d1 = edge_index_r1[0], edge_index_r1[1]
    h = features
    # layer 0: HeteroGraphConv with aggregate='sum' over relations, then activation
    h = jax.nn.relu(_graph_conv(h, s0, d0, W0_r0, b0_r0)
                    + _graph_conv(h, s1, d1, W0_r1, b0_r1))
    # layer 1 (dropout p applied in torch; eval-mode identity here)
    h = jax.nn.relu(_graph_conv(h, s0, d0, W1_r0, b1_r0)
                    + _graph_conv(h, s1, d1, W1_r1, b1_r1))
    # AvgPooling over the single graph -> [1, H]
    hg = jnp.mean(h, axis=0, keepdims=True)
    return hg @ Wc + bc

if __name__ == "__main__":
    import jax
    _d = setup_inputs()
    print(jax.jit(kernel)(*tuple(_d.values())))

</pallas_src>

<mosaic_0001>
#map = affine_map<(d0, d1) -> (0, 0, 0, 0, 0)>
#map1 = affine_map<(d0, d1) -> (0, 0)>
module attributes {stable_mosaic.version = 14 : i64} {
  func.func @_degree_kernel(%arg0: i32, %arg1: i32, %arg2: memref<2x2x16x80x128xi32, #tpu.memory_space<hbm>>, %arg3: memref<128x128xf32, #tpu.memory_space<hbm>>, %arg4: memref<640x128xf32, #tpu.memory_space<hbm>>, %arg5: memref<2x2x16x640x128xf32, #tpu.memory_space<hbm>>, %arg6: memref<80x128xi32, #tpu.memory_space<vmem>>, %arg7: memref<128x128xf32, #tpu.memory_space<vmem>>, %arg8: memref<10240x128xf32, #tpu.memory_space<vmem_shared>>, %arg9: memref<8x!tpu.dma_semaphore, #tpu.memory_space<semaphore_mem>>) attributes {dimension_semantics = [#tpu.dimension_semantics<core_parallel>, #tpu.dimension_semantics<subcore_parallel>], iteration_bounds = array<i64: 2, 16>, scalar_prefetch = 0 : i64, scratch_operands = 4 : i64, tpu.core_type = #tpu.core_type<sc_vector_subcore>, window_params = [{transform_indices = #map}, {transform_indices = #map1}, {transform_indices = #map1}, {transform_indices = #map}]} {
    %mul3A = arith.constant 640 : i32
    %mul3A_0 = arith.muli %arg1, %mul3A : i32
    "tpu.region"() ({
      %run_scoped3A_175 = tpu.sem_alloc : memref<!tpu.dma_semaphore, #tpu.memory_space<semaphore_mem>>
      tpu.enqueue_dma source(%arg3 : memref<128x128xf32, #tpu.memory_space<hbm>>) target(%arg7 : memref<128x128xf32, #tpu.memory_space<vmem>>) target_semaphore(%run_scoped3A_175 : memref<!tpu.dma_semaphore, #tpu.memory_space<semaphore_mem>>)
      tpu.wait_dma2 semaphore(%run_scoped3A_175 : memref<!tpu.dma_semaphore, #tpu.memory_space<semaphore_mem>>) src(%arg3 : memref<128x128xf32, #tpu.memory_space<hbm>>) dst(%arg7 : memref<128x128xf32, #tpu.memory_space<vmem>>)
      tpu.yield
    }) : () -> ()
    "tpu.region"() ({
      %run_scoped3A_175 = tpu.sem_alloc : memref<!tpu.dma_semaphore, #tpu.memory_space<semaphore_mem>>
      %dma_start3A = arith.constant 0 : i32
      %dma_start3A_176 = tpu.memref_slice %arg8[%mul3A_0, %dma_start3A] : memref<10240x128xf32, #tpu.memory_space<vmem_shared>> -> memref<640x128xf32, #tpu.memory_space<vmem_shared>>
      tpu.enqueue_dma source(%arg4 : memref<640x128xf32, #tpu.memory_space<hbm>>) target(%dma_start3A_176 : memref<640x128xf32, #tpu.memory_space<vmem_shared>>) target_semaphore(%run_scoped3A_175 : memref<!tpu.dma_semaphore, #tpu.memory_space<semaphore_mem>>)
      %dma_wait3A_177 = arith.constant 0 : i32
      %dma_wait3A_178 = tpu.memref_slice %arg8[%mul3A_0, %dma_wait3A_177] : memref<10240x128xf32, #tpu.memory_space<vmem_shared>> -> memref<640x128xf32, #tpu.memory_space<vmem_shared>>
      tpu.wait_dma2 semaphore(%run_scoped3A_175 : memref<!tpu.dma_semaphore, #tpu.memory_space<semaphore_mem>>) src(%arg4 : memref<640x128xf32, #tpu.memory_space<hbm>>) dst(%dma_wait3A_178 : memref<640x128xf32, #tpu.memory_space<vmem_shared>>)
      tpu.yield
    }) : () -> ()
    %run_scoped3A = arith.constant 0 : i32
    "tpu.region"() ({
      %run_scoped3A_175 = tpu.sem_alloc : memref<!tpu.dma_semaphore, #tpu.memory_space<semaphore_mem>>
      %dma_start3A = arith.constant 0 : i32
      %dma_start3A_176 = arith.constant 0 : i32
      %dma_start3A_177 = tpu.memref_slice %arg2[%arg0, %run_scoped3A, %arg1, %dma_start3A, %dma_start3A_176] : memref<2x2x16x80x128xi32, #tpu.memory_space<hbm>> -> memref<1x1x1x80x128xi32, #tpu.memory_space<hbm>>
      %dma_start3A_178 = tpu.memref_squeeze %dma_start3A_177 : memref<1x1x1x80x128xi32, #tpu.memory_space<hbm>> -> memref<80x128xi32, #tpu.memory_space<hbm>>
      %dma_start3A_179 = arith.constant 0 : i32
      %dma_start3A_180 = arith.constant 0 : i32
      %dma_start3A_181 = tpu.memref_slice %arg2[%arg0, %run_scoped3A, %arg1, %dma_start3A_179, %dma_start3A_180] : memref<2x2x16x80x128xi32, #tpu.memory_space<hbm>> -> memref<1x1x1x80x128xi32, #tpu.memory_space<hbm>>
      %dma_start3A_182 = tpu.memref_squeeze %dma_start3A_181 : memref<1x1x1x80x128xi32, #tpu.memory_space<hbm>> -> memref<80x128xi32, #tpu.memory_space<hbm>>
      tpu.enqueue_dma source(%dma_start3A_182 : memref<80x128xi32, #tpu.memory_space<hbm>>) target(%arg6 : memref<80x128xi32, #tpu.memory_space<vmem>>) target_semaphore(%run_scoped3A_175 : memref<!tpu.dma_semaphore, #tpu.memory_space<semaphore_mem>>)
      %dma_wait3A_183 = arith.constant 0 : i32
      %dma_wait3A_184 = arith.constant 0 : i32
      %dma_wait3A_185 = tpu.memref_slice %arg2[%arg0, %run_scoped3A, %arg1, %dma_wait3A_183, %dma_wait3A_184] : memref<2x2x16x80x128xi32, #tpu.memory_space<hbm>> -> memref<1x1x1x80x128xi32, #tpu.memory_space<hbm>>
      %dma_wait3A_186 = tpu.memref_squeeze %dma_wait3A_185 : memref<1x1x1x80x128xi32, #tpu.memory_space<hbm>> -> memref<80x128xi32, #tpu.memory_space<hbm>>
      %dma_wait3A_187 = arith.constant 0 : i32
      %dma_wait3A_188 = arith.constant 0 : i32
      %dma_wait3A_189 = tpu.memref_slice %arg2[%arg0, %run_scoped3A, %arg1, %dma_wait3A_187, %dma_wait3A_188] : memref<2x2x16x80x128xi32, #tpu.memory_space<hbm>> -> memref<1x1x1x80x128xi32, #tpu.memory_space<hbm>>
      %dma_wait3A_190 = tpu.memref_squeeze %dma_wait3A_189 : memref<1x1x1x80x128xi32, #tpu.memory_space<hbm>> -> memref<80x128xi32, #tpu.memory_space<hbm>>
      tpu.wait_dma2 semaphore(%run_scoped3A_175 : memref<!tpu.dma_semaphore, #tpu.memory_space<semaphore_mem>>) src(%dma_wait3A_190 : memref<80x128xi32, #tpu.memory_space<hbm>>) dst(%arg6 : memref<80x128xi32, #tpu.memory_space<vmem>>)
      tpu.yield
    }) : () -> ()
    %barrier3A = arith.constant 0 : index
    tpu.barrier barrier_id(%barrier3A)
    %scan3A = arith.constant 0 : i32
    %scan3A_1 = arith.constant 80 : i32
    %scan3A_2 = arith.addi %scan3A, %scan3A_1 : i32
    %scan3A_3 = arith.constant 1 : i32
    scf.for %scan3A_175 = %scan3A to %scan3A_2 step %scan3A_3  : i32 {
      %mul3A_176 = arith.constant 1 : i32
      %mul3A_177 = arith.muli %scan3A_175, %mul3A_176 : i32
      %add3A = arith.constant 0 : i32
      %add3A_178 = arith.addi %add3A, %mul3A_177 : i32
      %rem3A = arith.constant 8 : i32
      %rem3A_179 = arith.remsi %add3A_178, %rem3A : i32
      %ge3A = arith.constant 8 : i32
      %ge3A_180 = arith.cmpi sge, %add3A_178, %ge3A : i32
      %convert_element_type3A = arith.extui %ge3A_180 : i1 to i32
      %cond3A = arith.constant 0 : i32
      %cond3A_181 = arith.cmpi ne, %convert_element_type3A, %cond3A : i32
      scf.if %cond3A_181 {
        %dma_wait3A_189 = arith.constant 0 : i32
        %dma_wait3A_190 = tpu.memref_slice %arg6[%add3A_178, %dma_wait3A_189] : memref<80x128xi32, #tpu.memory_space<vmem>> -> memref<1x128xi32, #tpu.memory_space<vmem>>
        %dma_wait3A_191 = tpu.memref_squeeze %dma_wait3A_190 : memref<1x128xi32, #tpu.memory_space<vmem>> -> memref<128xi32, #tpu.memory_space<vmem>>
        %dma_wait3A_192 = arith.constant 0 : i32
        %dma_wait3A_193 = arith.constant 0 : i32
        %dma_wait3A_194 = tpu.memref_slice %arg8[%dma_wait3A_192, %dma_wait3A_193] : memref<10240x128xf32, #tpu.memory_space<vmem_shared>> -> memref<10240x128xf32, #tpu.memory_space<vmem_shared>>
        %dma_wait3A_195 = tpu.memref_slice %arg9[%rem3A_179] : memref<8x!tpu.dma_semaphore, #tpu.memory_space<semaphore_mem>> -> memref<1x!tpu.dma_semaphore, #tpu.memory_space<semaphore_mem>>
        %dma_wait3A_196 = tpu.memref_squeeze %dma_wait3A_195 : memref<1x!tpu.dma_semaphore, #tpu.memory_space<semaphore_mem>> -> memref<!tpu.dma_semaphore, #tpu.memory_space<semaphore_mem>>
        tpu.wait_indirect_dma semaphore(%dma_wait3A_196 : memref<!tpu.dma_semaphore, #tpu.memory_space<semaphore_mem>>) src(%arg7 : memref<128x128xf32, #tpu.memory_space<vmem>>) dst(%dma_wait3A_194 : memref<10240x128xf32, #tpu.memory_space<vmem_shared>>)
      } else {
      }
      %dma_start3A = arith.constant 0 : i32
      %dma_start3A_182 = tpu.memref_slice %arg6[%add3A_178, %dma_start3A] : memref<80x128xi32, #tpu.memory_space<vmem>> -> memref<1x128xi32, #tpu.memory_space<vmem>>
      %dma_start3A_183 = tpu.memref_squeeze %dma_start3A_182 : memref<1x128xi32, #tpu.memory_space<vmem>> -> memref<128xi32, #tpu.memory_space<vmem>>
      %dma_start3A_184 = arith.constant 0 : i32
      %dma_start3A_185 = arith.constant 0 : i32
      %dma_start3A_186 = tpu.memref_slice %arg8[%dma_start3A_184, %dma_start3A_185] : memref<10240x128xf32, #tpu.memory_space<vmem_shared>> -> memref<10240x128xf32, #tpu.memory_space<vmem_shared>>
      %dma_start3A_187 = tpu.memref_slice %arg9[%rem3A_179] : memref<8x!tpu.dma_semaphore, #tpu.memory_space<semaphore_mem>> -> memref<1x!tpu.dma_semaphore, #tpu.memory_space<semaphore_mem>>
      %dma_start3A_188 = tpu.memref_squeeze %dma_start3A_187 : memref<1x!tpu.dma_semaphore, #tpu.memory_space<semaphore_mem>> -> memref<!tpu.dma_semaphore, #tpu.memory_space<semaphore_mem>>
      tpu.enqueue_indirect_dma source(%arg7 : memref<128x128xf32, #tpu.memory_space<vmem>>) target(%dma_start3A_186 : memref<10240x128xf32, #tpu.memory_space<vmem_shared>>) offsets(%dma_start3A_183 : memref<128xi32, #tpu.memory_space<vmem>>) semaphore(%dma_start3A_188 : memref<!tpu.dma_semaphore, #tpu.memory_space<semaphore_mem>>) {add = true}
    }
    %scan3A_4 = arith.constant 80 : i32
    %dma_wait3A = arith.constant 0 : i32
    %dma_wait3A_5 = arith.constant 0 : i32
    %dma_wait3A_6 = arith.constant 0 : i32
    %dma_wait3A_7 = tpu.memref_slice %arg6[%dma_wait3A, %dma_wait3A_6] : memref<80x128xi32, #tpu.memory_space<vmem>> -> memref<1x128xi32, #tpu.memory_space<vmem>>
    %dma_wait3A_8 = tpu.memref_squeeze %dma_wait3A_7 : memref<1x128xi32, #tpu.memory_space<vmem>> -> memref<128xi32, #tpu.memory_space<vmem>>
    %dma_wait3A_9 = arith.constant 0 : i32
    %dma_wait3A_10 = arith.constant 0 : i32
    %dma_wait3A_11 = tpu.memref_slice %arg8[%dma_wait3A_9, %dma_wait3A_10] : memref<10240x128xf32, #tpu.memory_space<vmem_shared>> -> memref<10240x128xf32, #tpu.memory_space<vmem_shared>>
    %dma_wait3A_12 = tpu.memref_slice %arg9[%dma_wait3A_5] : memref<8x!tpu.dma_semaphore, #tpu.memory_space<semaphore_mem>> -> memref<1x!tpu.dma_semaphore, #tpu.memory_space<semaphore_mem>>
    %dma_wait3A_13 = tpu.memref_squeeze %dma_wait3A_12 : memref<1x!tpu.dma_semaphore, #tpu.memory_space<semaphore_mem>> -> memref<!tpu.dma_semaphore, #tpu.memory_space<semaphore_mem>>
    tpu.wait_indirect_dma semaphore(%dma_wait3A_13 : memref<!tpu.dma_semaphore, #tpu.memory_space<semaphore_mem>>) src(%arg7 : memref<128x128xf32, #tpu.memory_space<vmem>>) dst(%dma_wait3A_11 : memref<10240x128xf32, #tpu.memory_space<vmem_shared>>)
    %dma_wait3A_14 = arith.constant 0 : i32
    %dma_wait3A_15 = arith.constant 1 : i32
    %dma_wait3A_16 = arith.constant 0 : i32
    %dma_wait3A_17 = tpu.memref_slice %arg6[%dma_wait3A_14, %dma_wait3A_16] : memref<80x128xi32, #tpu.memory_space<vmem>> -> memref<1x128xi32, #tpu.memory_space<vmem>>
    %dma_wait3A_18 = tpu.memref_squeeze %dma_wait3A_17 : memref<1x128xi32, #tpu.memory_space<vmem>> -> memref<128xi32, #tpu.memory_space<vmem>>
    %dma_wait3A_19 = arith.constant 0 : i32
    %dma_wait3A_20 = arith.constant 0 : i32
    %dma_wait3A_21 = tpu.memref_slice %arg8[%dma_wait3A_19, %dma_wait3A_20] : memref<10240x128xf32, #tpu.memory_space<vmem_shared>> -> memref<10240x128xf32, #tpu.memory_space<vmem_shared>>
    %dma_wait3A_22 = tpu.memref_slice %arg9[%dma_wait3A_15] : memref<8x!tpu.dma_semaphore, #tpu.memory_space<semaphore_mem>> -> memref<1x!tpu.dma_semaphore, #tpu.memory_space<semaphore_mem>>
    %dma_wait3A_23 = tpu.memref_squeeze %dma_wait3A_22 : memref<1x!tpu.dma_semaphore, #tpu.memory_space<semaphore_mem>> -> memref<!tpu.dma_semaphore, #tpu.memory_space<semaphore_mem>>
    tpu.wait_indirect_dma semaphore(%dma_wait3A_23 : memref<!tpu.dma_semaphore, #tpu.memory_space<semaphore_mem>>) src(%arg7 : memref<128x128xf32, #tpu.memory_space<vmem>>) dst(%dma_wait3A_21 : memref<10240x128xf32, #tpu.memory_space<vmem_shared>>)
    %dma_wait3A_24 = arith.constant 0 : i32
    %dma_wait3A_25 = arith.constant 2 : i32
    %dma_wait3A_26 = arith.constant 0 : i32
    %dma_wait3A_27 = tpu.memref_slice %arg6[%dma_wait3A_24, %dma_wait3A_26] : memref<80x128xi32, #tpu.memory_space<vmem>> -> memref<1x128xi32, #tpu.memory_space<vmem>>
    %dma_wait3A_28 = tpu.memref_squeeze %dma_wait3A_27 : memref<1x128xi32, #tpu.memory_space<vmem>> -> memref<128xi32, #tpu.memory_space<vmem>>
    %dma_wait3A_29 = arith.constant 0 : i32
    %dma_wait3A_30 = arith.constant 0 : i32
    %dma_wait3A_31 = tpu.memref_slice %arg8[%dma_wait3A_29, %dma_wait3A_30] : memref<10240x128xf32, #tpu.memory_space<vmem_shared>> -> memref<10240x128xf32, #tpu.memory_space<vmem_shared>>
    %dma_wait3A_32 = tpu.memref_slice %arg9[%dma_wait3A_25] : memref<8x!tpu.dma_semaphore, #tpu.memory_space<semaphore_mem>> -> memref<1x!tpu.dma_semaphore, #tpu.memory_space<semaphore_mem>>
    %dma_wait3A_33 = tpu.memref_squeeze %dma_wait3A_32 : memref<1x!tpu.dma_semaphore, #tpu.memory_space<semaphore_mem>> -> memref<!tpu.dma_semaphore, #tpu.memory_space<semaphore_mem>>
    tpu.wait_indirect_dma semaphore(%dma_wait3A_33 : memref<!tpu.dma_semaphore, #tpu.memory_space<semaphore_mem>>) src(%arg7 : memref<128x128xf32, #tpu.memory_space<vmem>>) dst(%dma_wait3A_31 : memref<10240x128xf32, #tpu.memory_space<vmem_shared>>)
    %dma_wait3A_34 = arith.constant 0 : i32
    %dma_wait3A_35 = arith.constant 3 : i32
    %dma_wait3A_36 = arith.constant 0 : i32
    %dma_wait3A_37 = tpu.memref_slice %arg6[%dma_wait3A_34, %dma_wait3A_36] : memref<80x128xi32, #tpu.memory_space<vmem>> -> memref<1x128xi32, #tpu.memory_space<vmem>>
    %dma_wait3A_38 = tpu.memref_squeeze %dma_wait3A_37 : memref<1x128xi32, #tpu.memory_space<vmem>> -> memref<128xi32, #tpu.memory_space<vmem>>
    %dma_wait3A_39 = arith.constant 0 : i32
    %dma_wait3A_40 = arith.constant 0 : i32
    %dma_wait3A_41 = tpu.memref_slice %arg8[%dma_wait3A_39, %dma_wait3A_40] : memref<10240x128xf32, #tpu.memory_space<vmem_shared>> -> memref<10240x128xf32, #tpu.memory_space<vmem_shared>>
    %dma_wait3A_42 = tpu.memref_slice %arg9[%dma_wait3A_35] : memref<8x!tpu.dma_semaphore, #tpu.memory_space<semaphore_mem>> -> memref<1x!tpu.dma_semaphore, #tpu.memory_space<semaphore_mem>>
    %dma_wait3A_43 = tpu.memref_squeeze %dma_wait3A_42 : memref<1x!tpu.dma_semaphore, #tpu.memory_space<semaphore_mem>> -> memref<!tpu.dma_semaphore, #tpu.memory_space<semaphore_mem>>
    tpu.wait_indirect_dma semaphore(%dma_wait3A_43 : memref<!tpu.dma_semaphore, #tpu.memory_space<semaphore_mem>>) src(%arg7 : memref<128x128xf32, #tpu.memory_space<vmem>>) dst(%dma_wait3A_41 : memref<10240x128xf32, #tpu.memory_space<vmem_shared>>)
    %dma_wait3A_44 = arith.constant 0 : i32
    %dma_wait3A_45 = arith.constant 4 : i32
    %dma_wait3A_46 = arith.constant 0 : i32
    %dma_wait3A_47 = tpu.memref_slice %arg6[%dma_wait3A_44, %dma_wait3A_46] : memref<80x128xi32, #tpu.memory_space<vmem>> -> memref<1x128xi32, #tpu.memory_space<vmem>>
    %dma_wait3A_48 = tpu.memref_squeeze %dma_wait3A_47 : memref<1x128xi32, #tpu.memory_space<vmem>> -> memref<128xi32, #tpu.memory_space<vmem>>
    %dma_wait3A_49 = arith.constant 0 : i32
    %dma_wait3A_50 = arith.constant 0 : i32
    %dma_wait3A_51 = tpu.memref_slice %arg8[%dma_wait3A_49, %dma_wait3A_50] : memref<10240x128xf32, #tpu.memory_space<vmem_shared>> -> memref<10240x128xf32, #tpu.memory_space<vmem_shared>>
    %dma_wait3A_52 = tpu.memref_slice %arg9[%dma_wait3A_45] : memref<8x!tpu.dma_semaphore, #tpu.memory_space<semaphore_mem>> -> memref<1x!tpu.dma_semaphore, #tpu.memory_space<semaphore_mem>>
    %dma_wait3A_53 = tpu.memref_squeeze %dma_wait3A_52 : memref<1x!tpu.dma_semaphore, #tpu.memory_space<semaphore_mem>> -> memref<!tpu.dma_semaphore, #tpu.memory_space<semaphore_mem>>
    tpu.wait_indirect_dma semaphore(%dma_wait3A_53 : memref<!tpu.dma_semaphore, #tpu.memory_space<semaphore_mem>>) src(%arg7 : memref<128x128xf32, #tpu.memory_space<vmem>>) dst(%dma_wait3A_51 : memref<10240x128xf32, #tpu.memory_space<vmem_shared>>)
    %dma_wait3A_54 = arith.constant 0 : i32
    %dma_wait3A_55 = arith.constant 5 : i32
    %dma_wait3A_56 = arith.constant 0 : i32
    %dma_wait3A_57 = tpu.memref_slice %arg6[%dma_wait3A_54, %dma_wait3A_56] : memref<80x128xi32, #tpu.memory_space<vmem>> -> memref<1x128xi32, #tpu.memory_space<vmem>>
    %dma_wait3A_58 = tpu.memref_squeeze %dma_wait3A_57 : memref<1x128xi32, #tpu.memory_space<vmem>> -> memref<128xi32, #tpu.memory_space<vmem>>
    %dma_wait3A_59 = arith.constant 0 : i32
    %dma_wait3A_60 = arith.constant 0 : i32
    %dma_wait3A_61 = tpu.memref_slice %arg8[%dma_wait3A_59, %dma_wait3A_60] : memref<10240x128xf32, #tpu.memory_space<vmem_shared>> -> memref<10240x128xf32, #tpu.memory_space<vmem_shared>>
    %dma_wait3A_62 = tpu.memref_slice %arg9[%dma_wait3A_55] : memref<8x!tpu.dma_semaphore, #tpu.memory_space<semaphore_mem>> -> memref<1x!tpu.dma_semaphore, #tpu.memory_space<semaphore_mem>>
    %dma_wait3A_63 = tpu.memref_squeeze %dma_wait3A_62 : memref<1x!tpu.dma_semaphore, #tpu.memory_space<semaphore_mem>> -> memref<!tpu.dma_semaphore, #tpu.memory_space<semaphore_mem>>
    tpu.wait_indirect_dma semaphore(%dma_wait3A_63 : memref<!tpu.dma_semaphore, #tpu.memory_space<semaphore_mem>>) src(%arg7 : memref<128x128xf32, #tpu.memory_space<vmem>>) dst(%dma_wait3A_61 : memref<10240x128xf32, #tpu.memory_space<vmem_shared>>)
    %dma_wait3A_64 = arith.constant 0 : i32
    %dma_wait3A_65 = arith.constant 6 : i32
    %dma_wait3A_66 = arith.constant 0 : i32
    %dma_wait3A_67 = tpu.memref_slice %arg6[%dma_wait3A_64, %dma_wait3A_66] : memref<80x128xi32, #tpu.memory_space<vmem>> -> memref<1x128xi32, #tpu.memory_space<vmem>>
    %dma_wait3A_68 = tpu.memref_squeeze %dma_wait3A_67 : memref<1x128xi32, #tpu.memory_space<vmem>> -> memref<128xi32, #tpu.memory_space<vmem>>
    %dma_wait3A_69 = arith.constant 0 : i32
    %dma_wait3A_70 = arith.constant 0 : i32
    %dma_wait3A_71 = tpu.memref_slice %arg8[%dma_wait3A_69, %dma_wait3A_70] : memref<10240x128xf32, #tpu.memory_space<vmem_shared>> -> memref<10240x128xf32, #tpu.memory_space<vmem_shared>>
    %dma_wait3A_72 = tpu.memref_slice %arg9[%dma_wait3A_65] : memref<8x!tpu.dma_semaphore, #tpu.memory_space<semaphore_mem>> -> memref<1x!tpu.dma_semaphore, #tpu.memory_space<semaphore_mem>>
    %dma_wait3A_73 = tpu.memref_squeeze %dma_wait3A_72 : memref<1x!tpu.dma_semaphore, #tpu.memory_space<semaphore_mem>> -> memref<!tpu.dma_semaphore, #tpu.memory_space<semaphore_mem>>
    tpu.wait_indirect_dma semaphore(%dma_wait3A_73 : memref<!tpu.dma_semaphore, #tpu.memory_space<semaphore_mem>>) src(%arg7 : memref<128x128xf32, #tpu.memory_space<vmem>>) dst(%dma_wait3A_71 : memref<10240x128xf32, #tpu.memory_space<vmem_shared>>)
    %dma_wait3A_74 = arith.constant 0 : i32
    %dma_wait3A_75 = arith.constant 7 : i32
    %dma_wait3A_76 = arith.constant 0 : i32
    %dma_wait3A_77 = tpu.memref_slice %arg6[%dma_wait3A_74, %dma_wait3A_76] : memref<80x128xi32, #tpu.memory_space<vmem>> -> memref<1x128xi32, #tpu.memory_space<vmem>>
    %dma_wait3A_78 = tpu.memref_squeeze %dma_wait3A_77 : memref<1x128xi32, #tpu.memory_space<vmem>> -> memref<128xi32, #tpu.memory_space<vmem>>
    %dma_wait3A_79 = arith.constant 0 : i32
    %dma_wait3A_80 = arith.constant 0 : i32
    %dma_wait3A_81 = tpu.memref_slice %arg8[%dma_wait3A_79, %dma_wait3A_80] : memref<10240x128xf32, #tpu.memory_space<vmem_shared>> -> memref<10240x128xf32, #tpu.memory_space<vmem_shared>>
    %dma_wait3A_82 = tpu.memref_slice %arg9[%dma_wait3A_75] : memref<8x!tpu.dma_semaphore, #tpu.memory_space<semaphore_mem>> -> memref<1x!tpu.dma_semaphore, #tpu.memory_space<semaphore_mem>>
    %dma_wait3A_83 = tpu.memref_squeeze %dma_wait3A_82 : memref<1x!tpu.dma_semaphore, #tpu.memory_space<semaphore_mem>> -> memref<!tpu.dma_semaphore, #tpu.memory_space<semaphore_mem>>
    tpu.wait_indirect_dma semaphore(%dma_wait3A_83 : memref<!tpu.dma_semaphore, #tpu.memory_space<semaphore_mem>>) src(%arg7 : memref<128x128xf32, #tpu.memory_space<vmem>>) dst(%dma_wait3A_81 : memref<10240x128xf32, #tpu.memory_space<vmem_shared>>)
    %barrier3A_84 = arith.constant 0 : index
    tpu.barrier barrier_id(%barrier3A_84)
    %run_scoped3A_85 = arith.constant 0 : i32
    "tpu.region"() ({
      %run_scoped3A_175 = tpu.sem_alloc : memref<!tpu.dma_semaphore, #tpu.memory_space<semaphore_mem>>
      %dma_start3A = arith.constant 0 : i32
      %dma_start3A_176 = arith.constant 0 : i32
      %dma_start3A_177 = tpu.memref_slice %arg5[%arg0, %run_scoped3A_85, %arg1, %dma_start3A, %dma_start3A_176] : memref<2x2x16x640x128xf32, #tpu.memory_space<hbm>> -> memref<1x1x1x640x128xf32, #tpu.memory_space<hbm>>
      %dma_start3A_178 = tpu.memref_squeeze %dma_start3A_177 : memref<1x1x1x640x128xf32, #tpu.memory_space<hbm>> -> memref<640x128xf32, #tpu.memory_space<hbm>>
      %dma_start3A_179 = arith.constant 0 : i32
      %dma_start3A_180 = tpu.memref_slice %arg8[%mul3A_0, %dma_start3A_179] : memref<10240x128xf32, #tpu.memory_space<vmem_shared>> -> memref<640x128xf32, #tpu.memory_space<vmem_shared>>
      tpu.enqueue_dma source(%dma_start3A_180 : memref<640x128xf32, #tpu.memory_space<vmem_shared>>) target(%dma_start3A_178 : memref<640x128xf32, #tpu.memory_space<hbm>>) target_semaphore(%run_scoped3A_175 : memref<!tpu.dma_semaphore, #tpu.memory_space<semaphore_mem>>)
      %dma_wait3A_181 = arith.constant 0 : i32
      %dma_wait3A_182 = arith.constant 0 : i32
      %dma_wait3A_183 = tpu.memref_slice %arg5[%arg0, %run_scoped3A_85, %arg1, %dma_wait3A_181, %dma_wait3A_182] : memref<2x2x16x640x128xf32, #tpu.memory_space<hbm>> -> memref<1x1x1x640x128xf32, #tpu.memory_space<hbm>>
      %dma_wait3A_184 = tpu.memref_squeeze %dma_wait3A_183 : memref<1x1x1x640x128xf32, #tpu.memory_space<hbm>> -> memref<640x128xf32, #tpu.memory_space<hbm>>
      %dma_wait3A_185 = arith.constant 0 : i32
      %dma_wait3A_186 = tpu.memref_slice %arg8[%mul3A_0, %dma_wait3A_185] : memref<10240x128xf32, #tpu.memory_space<vmem_shared>> -> memref<640x128xf32, #tpu.memory_space<vmem_shared>>
      tpu.wait_dma2 semaphore(%run_scoped3A_175 : memref<!tpu.dma_semaphore, #tpu.memory_space<semaphore_mem>>) src(%dma_wait3A_186 : memref<640x128xf32, #tpu.memory_space<vmem_shared>>) dst(%dma_wait3A_184 : memref<640x128xf32, #tpu.memory_space<hbm>>)
      tpu.yield
    }) : () -> ()
    "tpu.region"() ({
      %run_scoped3A_175 = tpu.sem_alloc : memref<!tpu.dma_semaphore, #tpu.memory_space<semaphore_mem>>
      %dma_start3A = arith.constant 0 : i32
      %dma_start3A_176 = tpu.memref_slice %arg8[%mul3A_0, %dma_start3A] : memref<10240x128xf32, #tpu.memory_space<vmem_shared>> -> memref<640x128xf32, #tpu.memory_space<vmem_shared>>
      tpu.enqueue_dma source(%arg4 : memref<640x128xf32, #tpu.memory_space<hbm>>) target(%dma_start3A_176 : memref<640x128xf32, #tpu.memory_space<vmem_shared>>) target_semaphore(%run_scoped3A_175 : memref<!tpu.dma_semaphore, #tpu.memory_space<semaphore_mem>>)
      %dma_wait3A_177 = arith.constant 0 : i32
      %dma_wait3A_178 = tpu.memref_slice %arg8[%mul3A_0, %dma_wait3A_177] : memref<10240x128xf32, #tpu.memory_space<vmem_shared>> -> memref<640x128xf32, #tpu.memory_space<vmem_shared>>
      tpu.wait_dma2 semaphore(%run_scoped3A_175 : memref<!tpu.dma_semaphore, #tpu.memory_space<semaphore_mem>>) src(%arg4 : memref<640x128xf32, #tpu.memory_space<hbm>>) dst(%dma_wait3A_178 : memref<640x128xf32, #tpu.memory_space<vmem_shared>>)
      tpu.yield
    }) : () -> ()
    %run_scoped3A_86 = arith.constant 1 : i32
    "tpu.region"() ({
      %run_scoped3A_175 = tpu.sem_alloc : memref<!tpu.dma_semaphore, #tpu.memory_space<semaphore_mem>>
      %dma_start3A = arith.constant 0 : i32
      %dma_start3A_176 = arith.constant 0 : i32
      %dma_start3A_177 = tpu.memref_slice %arg2[%arg0, %run_scoped3A_86, %arg1, %dma_start3A, %dma_start3A_176] : memref<2x2x16x80x128xi32, #tpu.memory_space<hbm>> -> memref<1x1x1x80x128xi32, #tpu.memory_space<hbm>>
      %dma_start3A_178 = tpu.memref_squeeze %dma_start3A_177 : memref<1x1x1x80x128xi32, #tpu.memory_space<hbm>> -> memref<80x128xi32, #tpu.memory_space<hbm>>
      %dma_start3A_179 = arith.constant 0 : i32
      %dma_start3A_180 = arith.constant 0 : i32
      %dma_start3A_181 = tpu.memref_slice %arg2[%arg0, %run_scoped3A_86, %arg1, %dma_start3A_179, %dma_start3A_180] : memref<2x2x16x80x128xi32, #tpu.memory_space<hbm>> -> memref<1x1x1x80x128xi32, #tpu.memory_space<hbm>>
      %dma_start3A_182 = tpu.memref_squeeze %dma_start3A_181 : memref<1x1x1x80x128xi32, #tpu.memory_space<hbm>> -> memref<80x128xi32, #tpu.memory_space<hbm>>
      tpu.enqueue_dma source(%dma_start3A_182 : memref<80x128xi32, #tpu.memory_space<hbm>>) target(%arg6 : memref<80x128xi32, #tpu.memory_space<vmem>>) target_semaphore(%run_scoped3A_175 : memref<!tpu.dma_semaphore, #tpu.memory_space<semaphore_mem>>)
      %dma_wait3A_183 = arith.constant 0 : i32
      %dma_wait3A_184 = arith.constant 0 : i32
      %dma_wait3A_185 = tpu.memref_slice %arg2[%arg0, %run_scoped3A_86, %arg1, %dma_wait3A_183, %dma_wait3A_184] : memref<2x2x16x80x128xi32, #tpu.memory_space<hbm>> -> memref<1x1x1x80x128xi32, #tpu.memory_space<hbm>>
      %dma_wait3A_186 = tpu.memref_squeeze %dma_wait3A_185 : memref<1x1x1x80x128xi32, #tpu.memory_space<hbm>> -> memref<80x128xi32, #tpu.memory_space<hbm>>
      %dma_wait3A_187 = arith.constant 0 : i32
      %dma_wait3A_188 = arith.constant 0 : i32
      %dma_wait3A_189 = tpu.memref_slice %arg2[%arg0, %run_scoped3A_86, %arg1, %dma_wait3A_187, %dma_wait3A_188] : memref<2x2x16x80x128xi32, #tpu.memory_space<hbm>> -> memref<1x1x1x80x128xi32, #tpu.memory_space<hbm>>
      %dma_wait3A_190 = tpu.memref_squeeze %dma_wait3A_189 : memref<1x1x1x80x128xi32, #tpu.memory_space<hbm>> -> memref<80x128xi32, #tpu.memory_space<hbm>>
      tpu.wait_dma2 semaphore(%run_scoped3A_175 : memref<!tpu.dma_semaphore, #tpu.memory_space<semaphore_mem>>) src(%dma_wait3A_190 : memref<80x128xi32, #tpu.memory_space<hbm>>) dst(%arg6 : memref<80x128xi32, #tpu.memory_space<vmem>>)
      tpu.yield
    }) : () -> ()
    %barrier3A_87 = arith.constant 0 : index
    tpu.barrier barrier_id(%barrier3A_87)
    %scan3A_88 = arith.constant 0 : i32
    %scan3A_89 = arith.constant 80 : i32
    %scan3A_90 = arith.addi %scan3A_88, %scan3A_89 : i32
    %scan3A_91 = arith.constant 1 : i32
    scf.for %scan3A_175 = %scan3A_88 to %scan3A_90 step %scan3A_91  : i32 {
      %mul3A_176 = arith.constant 1 : i32
      %mul3A_177 = arith.muli %scan3A_175, %mul3A_176 : i32
      %add3A = arith.constant 0 : i32
      %add3A_178 = arith.addi %add3A, %mul3A_177 : i32
      %rem3A = arith.constant 8 : i32
      %rem3A_179 = arith.remsi %add3A_178, %rem3A : i32
      %ge3A = arith.constant 8 : i32
      %ge3A_180 = arith.cmpi sge, %add3A_178, %ge3A : i32
      %convert_element_type3A = arith.extui %ge3A_180 : i1 to i32
      %cond3A = arith.constant 0 : i32
      %cond3A_181 = arith.cmpi ne, %convert_element_type3A, %cond3A : i32
      scf.if %cond3A_181 {
        %dma_wait3A_189 = arith.constant 0 : i32
        %dma_wait3A_190 = tpu.memref_slice %arg6[%add3A_178, %dma_wait3A_189] : memref<80x128xi32, #tpu.memory_space<vmem>> -> memref<1x128xi32, #tpu.memory_space<vmem>>
        %dma_wait3A_191 = tpu.memref_squeeze %dma_wait3A_190 : memref<1x128xi32, #tpu.memory_space<vmem>> -> memref<128xi32, #tpu.memory_space<vmem>>
        %dma_wait3A_192 = arith.constant 0 : i32
        %dma_wait3A_193 = arith.constant 0 : i32
        %dma_wait3A_194 = tpu.memref_slice %arg8[%dma_wait3A_192, %dma_wait3A_193] : memref<10240x128xf32, #tpu.memory_space<vmem_shared>> -> memref<10240x128xf32, #tpu.memory_space<vmem_shared>>
        %dma_wait3A_195 = tpu.memref_slice %arg9[%rem3A_179] : memref<8x!tpu.dma_semaphore, #tpu.memory_space<semaphore_mem>> -> memref<1x!tpu.dma_semaphore, #tpu.memory_space<semaphore_mem>>
        %dma_wait3A_196 = tpu.memref_squeeze %dma_wait3A_195 : memref<1x!tpu.dma_semaphore, #tpu.memory_space<semaphore_mem>> -> memref<!tpu.dma_semaphore, #tpu.memory_space<semaphore_mem>>
        tpu.wait_indirect_dma semaphore(%dma_wait3A_196 : memref<!tpu.dma_semaphore, #tpu.memory_space<semaphore_mem>>) src(%arg7 : memref<128x128xf32, #tpu.memory_space<vmem>>) dst(%dma_wait3A_194 : memref<10240x128xf32, #tpu.memory_space<vmem_shared>>)
      } else {
      }
      %dma_start3A = arith.constant 0 : i32
      %dma_start3A_182 = tpu.memref_slice %arg6[%add3A_178, %dma_start3A] : memref<80x128xi32, #tpu.memory_space<vmem>> -> memref<1x128xi32, #tpu.memory_space<vmem>>
      %dma_start3A_183 = tpu.memref_squeeze %dma_start3A_182 : memref<1x128xi32, #tpu.memory_space<vmem>> -> memref<128xi32, #tpu.memory_space<vmem>>
      %dma_start3A_184 = arith.constant 0 : i32
      %dma_start3A_185 = arith.constant 0 : i32
      %dma_start3A_186 = tpu.memref_slice %arg8[%dma_start3A_184, %dma_start3A_185] : memref<10240x128xf32, #tpu.memory_space<vmem_shared>> -> memref<10240x128xf32, #tpu.memory_space<vmem_shared>>
      %dma_start3A_187 = tpu.memref_slice %arg9[%rem3A_179] : memref<8x!tpu.dma_semaphore, #tpu.memory_space<semaphore_mem>> -> memref<1x!tpu.dma_semaphore, #tpu.memory_space<semaphore_mem>>
      %dma_start3A_188 = tpu.memref_squeeze %dma_start3A_187 : memref<1x!tpu.dma_semaphore, #tpu.memory_space<semaphore_mem>> -> memref<!tpu.dma_semaphore, #tpu.memory_space<semaphore_mem>>
      tpu.enqueue_indirect_dma source(%arg7 : memref<128x128xf32, #tpu.memory_space<vmem>>) target(%dma_start3A_186 : memref<10240x128xf32, #tpu.memory_space<vmem_shared>>) offsets(%dma_start3A_183 : memref<128xi32, #tpu.memory_space<vmem>>) semaphore(%dma_start3A_188 : memref<!tpu.dma_semaphore, #tpu.memory_space<semaphore_mem>>) {add = true}
    }
    %scan3A_92 = arith.constant 80 : i32
    %dma_wait3A_93 = arith.constant 0 : i32
    %dma_wait3A_94 = arith.constant 0 : i32
    %dma_wait3A_95 = arith.constant 0 : i32
    %dma_wait3A_96 = tpu.memref_slice %arg6[%dma_wait3A_93, %dma_wait3A_95] : memref<80x128xi32, #tpu.memory_space<vmem>> -> memref<1x128xi32, #tpu.memory_space<vmem>>
    %dma_wait3A_97 = tpu.memref_squeeze %dma_wait3A_96 : memref<1x128xi32, #tpu.memory_space<vmem>> -> memref<128xi32, #tpu.memory_space<vmem>>
    %dma_wait3A_98 = arith.constant 0 : i32
    %dma_wait3A_99 = arith.constant 0 : i32
    %dma_wait3A_100 = tpu.memref_slice %arg8[%dma_wait3A_98, %dma_wait3A_99] : memref<10240x128xf32, #tpu.memory_space<vmem_shared>> -> memref<10240x128xf32, #tpu.memory_space<vmem_shared>>
    %dma_wait3A_101 = tpu.memref_slice %arg9[%dma_wait3A_94] : memref<8x!tpu.dma_semaphore, #tpu.memory_space<semaphore_mem>> -> memref<1x!tpu.dma_semaphore, #tpu.memory_space<semaphore_mem>>
    %dma_wait3A_102 = tpu.memref_squeeze %dma_wait3A_101 : memref<1x!tpu.dma_semaphore, #tpu.memory_space<semaphore_mem>> -> memref<!tpu.dma_semaphore, #tpu.memory_space<semaphore_mem>>
    tpu.wait_indirect_dma semaphore(%dma_wait3A_102 : memref<!tpu.dma_semaphore, #tpu.memory_space<semaphore_mem>>) src(%arg7 : memref<128x128xf32, #tpu.memory_space<vmem>>) dst(%dma_wait3A_100 : memref<10240x128xf32, #tpu.memory_space<vmem_shared>>)
    %dma_wait3A_103 = arith.constant 0 : i32
    %dma_wait3A_104 = arith.constant 1 : i32
    %dma_wait3A_105 = arith.constant 0 : i32
    %dma_wait3A_106 = tpu.memref_slice %arg6[%dma_wait3A_103, %dma_wait3A_105] : memref<80x128xi32, #tpu.memory_space<vmem>> -> memref<1x128xi32, #tpu.memory_space<vmem>>
    %dma_wait3A_107 = tpu.memref_squeeze %dma_wait3A_106 : memref<1x128xi32, #tpu.memory_space<vmem>> -> memref<128xi32, #tpu.memory_space<vmem>>
    %dma_wait3A_108 = arith.constant 0 : i32
    %dma_wait3A_109 = arith.constant 0 : i32
    %dma_wait3A_110 = tpu.memref_slice %arg8[%dma_wait3A_108, %dma_wait3A_109] : memref<10240x128xf32, #tpu.memory_space<vmem_shared>> -> memref<10240x128xf32, #tpu.memory_space<vmem_shared>>
    %dma_wait3A_111 = tpu.memref_slice %arg9[%dma_wait3A_104] : memref<8x!tpu.dma_semaphore, #tpu.memory_space<semaphore_mem>> -> memref<1x!tpu.dma_semaphore, #tpu.memory_space<semaphore_mem>>
    %dma_wait3A_112 = tpu.memref_squeeze %dma_wait3A_111 : memref<1x!tpu.dma_semaphore, #tpu.memory_space<semaphore_mem>> -> memref<!tpu.dma_semaphore, #tpu.memory_space<semaphore_mem>>
    tpu.wait_indirect_dma semaphore(%dma_wait3A_112 : memref<!tpu.dma_semaphore, #tpu.memory_space<semaphore_mem>>) src(%arg7 : memref<128x128xf32, #tpu.memory_space<vmem>>) dst(%dma_wait3A_110 : memref<10240x128xf32, #tpu.memory_space<vmem_shared>>)
    %dma_wait3A_113 = arith.constant 0 : i32
    %dma_wait3A_114 = arith.constant 2 : i32
    %dma_wait3A_115 = arith.constant 0 : i32
    %dma_wait3A_116 = tpu.memref_slice %arg6[%dma_wait3A_113, %dma_wait3A_115] : memref<80x128xi32, #tpu.memory_space<vmem>> -> memref<1x128xi32, #tpu.memory_space<vmem>>
    %dma_wait3A_117 = tpu.memref_squeeze %dma_wait3A_116 : memref<1x128xi32, #tpu.memory_space<vmem>> -> memref<128xi32, #tpu.memory_space<vmem>>
    %dma_wait3A_118 = arith.constant 0 : i32
    %dma_wait3A_119 = arith.constant 0 : i32
    %dma_wait3A_120 = tpu.memref_slice %arg8[%dma_wait3A_118, %dma_wait3A_119] : memref<10240x128xf32, #tpu.memory_space<vmem_shared>> -> memref<10240x128xf32, #tpu.memory_space<vmem_shared>>
    %dma_wait3A_121 = tpu.memref_slice %arg9[%dma_wait3A_114] : memref<8x!tpu.dma_semaphore, #tpu.memory_space<semaphore_mem>> -> memref<1x!tpu.dma_semaphore, #tpu.memory_space<semaphore_mem>>
    %dma_wait3A_122 = tpu.memref_squeeze %dma_wait3A_121 : memref<1x!tpu.dma_semaphore, #tpu.memory_space<semaphore_mem>> -> memref<!tpu.dma_semaphore, #tpu.memory_space<semaphore_mem>>
    tpu.wait_indirect_dma semaphore(%dma_wait3A_122 : memref<!tpu.dma_semaphore, #tpu.memory_space<semaphore_mem>>) src(%arg7 : memref<128x128xf32, #tpu.memory_space<vmem>>) dst(%dma_wait3A_120 : memref<10240x128xf32, #tpu.memory_space<vmem_shared>>)
    %dma_wait3A_123 = arith.constant 0 : i32
    %dma_wait3A_124 = arith.constant 3 : i32
    %dma_wait3A_125 = arith.constant 0 : i32
    %dma_wait3A_126 = tpu.memref_slice %arg6[%dma_wait3A_123, %dma_wait3A_125] : memref<80x128xi32, #tpu.memory_space<vmem>> -> memref<1x128xi32, #tpu.memory_space<vmem>>
    %dma_wait3A_127 = tpu.memref_squeeze %dma_wait3A_126 : memref<1x128xi32, #tpu.memory_space<vmem>> -> memref<128xi32, #tpu.memory_space<vmem>>
    %dma_wait3A_128 = arith.constant 0 : i32
    %dma_wait3A_129 = arith.constant 0 : i32
    %dma_wait3A_130 = tpu.memref_slice %arg8[%dma_wait3A_128, %dma_wait3A_129] : memref<10240x128xf32, #tpu.memory_space<vmem_shared>> -> memref<10240x128xf32, #tpu.memory_space<vmem_shared>>
    %dma_wait3A_131 = tpu.memref_slice %arg9[%dma_wait3A_124] : memref<8x!tpu.dma_semaphore, #tpu.memory_space<semaphore_mem>> -> memref<1x!tpu.dma_semaphore, #tpu.memory_space<semaphore_mem>>
    %dma_wait3A_132 = tpu.memref_squeeze %dma_wait3A_131 : memref<1x!tpu.dma_semaphore, #tpu.memory_space<semaphore_mem>> -> memref<!tpu.dma_semaphore, #tpu.memory_space<semaphore_mem>>
    tpu.wait_indirect_dma semaphore(%dma_wait3A_132 : memref<!tpu.dma_semaphore, #tpu.memory_space<semaphore_mem>>) src(%arg7 : memref<128x128xf32, #tpu.memory_space<vmem>>) dst(%dma_wait3A_130 : memref<10240x128xf32, #tpu.memory_space<vmem_shared>>)
    %dma_wait3A_133 = arith.constant 0 : i32
    %dma_wait3A_134 = arith.constant 4 : i32
    %dma_wait3A_135 = arith.constant 0 : i32
    %dma_wait3A_136 = tpu.memref_slice %arg6[%dma_wait3A_133, %dma_wait3A_135] : memref<80x128xi32, #tpu.memory_space<vmem>> -> memref<1x128xi32, #tpu.memory_space<vmem>>
    %dma_wait3A_137 = tpu.memref_squeeze %dma_wait3A_136 : memref<1x128xi32, #tpu.memory_space<vmem>> -> memref<128xi32, #tpu.memory_space<vmem>>
    %dma_wait3A_138 = arith.constant 0 : i32
    %dma_wait3A_139 = arith.constant 0 : i32
    %dma_wait3A_140 = tpu.memref_slice %arg8[%dma_wait3A_138, %dma_wait3A_139] : memref<10240x128xf32, #tpu.memory_space<vmem_shared>> -> memref<10240x128xf32, #tpu.memory_space<vmem_shared>>
    %dma_wait3A_141 = tpu.memref_slice %arg9[%dma_wait3A_134] : memref<8x!tpu.dma_semaphore, #tpu.memory_space<semaphore_mem>> -> memref<1x!tpu.dma_semaphore, #tpu.memory_space<semaphore_mem>>
    %dma_wait3A_142 = tpu.memref_squeeze %dma_wait3A_141 : memref<1x!tpu.dma_semaphore, #tpu.memory_space<semaphore_mem>> -> memref<!tpu.dma_semaphore, #tpu.memory_space<semaphore_mem>>
    tpu.wait_indirect_dma semaphore(%dma_wait3A_142 : memref<!tpu.dma_semaphore, #tpu.memory_space<semaphore_mem>>) src(%arg7 : memref<128x128xf32, #tpu.memory_space<vmem>>) dst(%dma_wait3A_140 : memref<10240x128xf32, #tpu.memory_space<vmem_shared>>)
    %dma_wait3A_143 = arith.constant 0 : i32
    %dma_wait3A_144 = arith.constant 5 : i32
    %dma_wait3A_145 = arith.constant 0 : i32
    %dma_wait3A_146 = tpu.memref_slice %arg6[%dma_wait3A_143, %dma_wait3A_145] : memref<80x128xi32, #tpu.memory_space<vmem>> -> memref<1x128xi32, #tpu.memory_space<vmem>>
    %dma_wait3A_147 = tpu.memref_squeeze %dma_wait3A_146 : memref<1x128xi32, #tpu.memory_space<vmem>> -> memref<128xi32, #tpu.memory_space<vmem>>
    %dma_wait3A_148 = arith.constant 0 : i32
    %dma_wait3A_149 = arith.constant 0 : i32
    %dma_wait3A_150 = tpu.memref_slice %arg8[%dma_wait3A_148, %dma_wait3A_149] : memref<10240x128xf32, #tpu.memory_space<vmem_shared>> -> memref<10240x128xf32, #tpu.memory_space<vmem_shared>>
    %dma_wait3A_151 = tpu.memref_slice %arg9[%dma_wait3A_144] : memref<8x!tpu.dma_semaphore, #tpu.memory_space<semaphore_mem>> -> memref<1x!tpu.dma_semaphore, #tpu.memory_space<semaphore_mem>>
    %dma_wait3A_152 = tpu.memref_squeeze %dma_wait3A_151 : memref<1x!tpu.dma_semaphore, #tpu.memory_space<semaphore_mem>> -> memref<!tpu.dma_semaphore, #tpu.memory_space<semaphore_mem>>
    tpu.wait_indirect_dma semaphore(%dma_wait3A_152 : memref<!tpu.dma_semaphore, #tpu.memory_space<semaphore_mem>>) src(%arg7 : memref<128x128xf32, #tpu.memory_space<vmem>>) dst(%dma_wait3A_150 : memref<10240x128xf32, #tpu.memory_space<vmem_shared>>)
    %dma_wait3A_153 = arith.constant 0 : i32
    %dma_wait3A_154 = arith.constant 6 : i32
    %dma_wait3A_155 = arith.constant 0 : i32
    %dma_wait3A_156 = tpu.memref_slice %arg6[%dma_wait3A_153, %dma_wait3A_155] : memref<80x128xi32, #tpu.memory_space<vmem>> -> memref<1x128xi32, #tpu.memory_space<vmem>>
    %dma_wait3A_157 = tpu.memref_squeeze %dma_wait3A_156 : memref<1x128xi32, #tpu.memory_space<vmem>> -> memref<128xi32, #tpu.memory_space<vmem>>
    %dma_wait3A_158 = arith.constant 0 : i32
    %dma_wait3A_159 = arith.constant 0 : i32
    %dma_wait3A_160 = tpu.memref_slice %arg8[%dma_wait3A_158, %dma_wait3A_159] : memref<10240x128xf32, #tpu.memory_space<vmem_shared>> -> memref<10240x128xf32, #tpu.memory_space<vmem_shared>>
    %dma_wait3A_161 = tpu.memref_slice %arg9[%dma_wait3A_154] : memref<8x!tpu.dma_semaphore, #tpu.memory_space<semaphore_mem>> -> memref<1x!tpu.dma_semaphore, #tpu.memory_space<semaphore_mem>>
    %dma_wait3A_162 = tpu.memref_squeeze %dma_wait3A_161 : memref<1x!tpu.dma_semaphore, #tpu.memory_space<semaphore_mem>> -> memref<!tpu.dma_semaphore, #tpu.memory_space<semaphore_mem>>
    tpu.wait_indirect_dma semaphore(%dma_wait3A_162 : memref<!tpu.dma_semaphore, #tpu.memory_space<semaphore_mem>>) src(%arg7 : memref<128x128xf32, #tpu.memory_space<vmem>>) dst(%dma_wait3A_160 : memref<10240x128xf32, #tpu.memory_space<vmem_shared>>)
    %dma_wait3A_163 = arith.constant 0 : i32
    %dma_wait3A_164 = arith.constant 7 : i32
    %dma_wait3A_165 = arith.constant 0 : i32
    %dma_wait3A_166 = tpu.memref_slice %arg6[%dma_wait3A_163, %dma_wait3A_165] : memref<80x128xi32, #tpu.memory_space<vmem>> -> memref<1x128xi32, #tpu.memory_space<vmem>>
    %dma_wait3A_167 = tpu.memref_squeeze %dma_wait3A_166 : memref<1x128xi32, #tpu.memory_space<vmem>> -> memref<128xi32, #tpu.memory_space<vmem>>
    %dma_wait3A_168 = arith.constant 0 : i32
    %dma_wait3A_169 = arith.constant 0 : i32
    %dma_wait3A_170 = tpu.memref_slice %arg8[%dma_wait3A_168, %dma_wait3A_169] : memref<10240x128xf32, #tpu.memory_space<vmem_shared>> -> memref<10240x128xf32, #tpu.memory_space<vmem_shared>>
    %dma_wait3A_171 = tpu.memref_slice %arg9[%dma_wait3A_164] : memref<8x!tpu.dma_semaphore, #tpu.memory_space<semaphore_mem>> -> memref<1x!tpu.dma_semaphore, #tpu.memory_space<semaphore_mem>>
    %dma_wait3A_172 = tpu.memref_squeeze %dma_wait3A_171 : memref<1x!tpu.dma_semaphore, #tpu.memory_space<semaphore_mem>> -> memref<!tpu.dma_semaphore, #tpu.memory_space<semaphore_mem>>
    tpu.wait_indirect_dma semaphore(%dma_wait3A_172 : memref<!tpu.dma_semaphore, #tpu.memory_space<semaphore_mem>>) src(%arg7 : memref<128x128xf32, #tpu.memory_space<vmem>>) dst(%dma_wait3A_170 : memref<10240x128xf32, #tpu.memory_space<vmem_shared>>)
    %barrier3A_173 = arith.constant 0 : index
    tpu.barrier barrier_id(%barrier3A_173)
    %run_scoped3A_174 = arith.constant 1 : i32
    "tpu.region"() ({
      %run_scoped3A_175 = tpu.sem_alloc : memref<!tpu.dma_semaphore, #tpu.memory_space<semaphore_mem>>
      %dma_start3A = arith.constant 0 : i32
      %dma_start3A_176 = arith.constant 0 : i32
      %dma_start3A_177 = tpu.memref_slice %arg5[%arg0, %run_scoped3A_174, %arg1, %dma_start3A, %dma_start3A_176] : memref<2x2x16x640x128xf32, #tpu.memory_space<hbm>> -> memref<1x1x1x640x128xf32, #tpu.memory_space<hbm>>
      %dma_start3A_178 = tpu.memref_squeeze %dma_start3A_177 : memref<1x1x1x640x128xf32, #tpu.memory_space<hbm>> -> memref<640x128xf32, #tpu.memory_space<hbm>>
      %dma_start3A_179 = arith.constant 0 : i32
      %dma_start3A_180 = tpu.memref_slice %arg8[%mul3A_0, %dma_start3A_179] : memref<10240x128xf32, #tpu.memory_space<vmem_shared>> -> memref<640x128xf32, #tpu.memory_space<vmem_shared>>
      tpu.enqueue_dma source(%dma_start3A_180 : memref<640x128xf32, #tpu.memory_space<vmem_shared>>) target(%dma_start3A_178 : memref<640x128xf32, #tpu.memory_space<hbm>>) target_semaphore(%run_scoped3A_175 : memref<!tpu.dma_semaphore, #tpu.memory_space<semaphore_mem>>)
      %dma_wait3A_181 = arith.constant 0 : i32
      %dma_wait3A_182 = arith.constant 0 : i32
      %dma_wait3A_183 = tpu.memref_slice %arg5[%arg0, %run_scoped3A_174, %arg1, %dma_wait3A_181, %dma_wait3A_182] : memref<2x2x16x640x128xf32, #tpu.memory_space<hbm>> -> memref<1x1x1x640x128xf32, #tpu.memory_space<hbm>>
      %dma_wait3A_184 = tpu.memref_squeeze %dma_wait3A_183 : memref<1x1x1x640x128xf32, #tpu.memory_space<hbm>> -> memref<640x128xf32, #tpu.memory_space<hbm>>
      %dma_wait3A_185 = arith.constant 0 : i32
      %dma_wait3A_186 = tpu.memref_slice %arg8[%mul3A_0, %dma_wait3A_185] : memref<10240x128xf32, #tpu.memory_space<vmem_shared>> -> memref<640x128xf32, #tpu.memory_space<vmem_shared>>
      tpu.wait_dma2 semaphore(%run_scoped3A_175 : memref<!tpu.dma_semaphore, #tpu.memory_space<semaphore_mem>>) src(%dma_wait3A_186 : memref<640x128xf32, #tpu.memory_space<vmem_shared>>) dst(%dma_wait3A_184 : memref<640x128xf32, #tpu.memory_space<hbm>>)
      tpu.yield
    }) : () -> ()
    return
  }
}

#map = affine_map<(d0, d1) -> (0, 0)>
#map1 = affine_map<(d0, d1) -> (0, 0, 0, 0, 0, 0)>
#map2 = affine_map<(d0, d1) -> (0, 0, 0, 0)>
module attributes {stable_mosaic.version = 14 : i64} {
  func.func @_propagate_kernel(%arg0: i32, %arg1: i32, %arg2: memref<20480x128xf32, #tpu.memory_space<hbm>>, %arg3: memref<2x16x5x2x16x128xi32, #tpu.memory_space<hbm>>, %arg4: memref<640x128xf32, #tpu.memory_space<hbm>>, %arg5: memref<2x16x640x128xf32, #tpu.memory_space<hbm>>, %arg6: memref<2x2x16x128xi32, #tpu.memory_space<vmem>>, %arg7: memref<2x128x128xf32, #tpu.memory_space<vmem>>, %arg8: memref<10240x128xf32, #tpu.memory_space<vmem_shared>>, %arg9: memref<2x!tpu.dma_semaphore, #tpu.memory_space<semaphore_mem>>, %arg10: memref<!tpu.dma_semaphore, #tpu.memory_space<semaphore_mem>>, %arg11: memref<2x!tpu.dma_semaphore, #tpu.memory_space<semaphore_mem>>) attributes {dimension_semantics = [#tpu.dimension_semantics<core_parallel>, #tpu.dimension_semantics<subcore_parallel>], iteration_bounds = array<i64: 2, 16>, scalar_prefetch = 0 : i64, scratch_operands = 6 : i64, tpu.core_type = #tpu.core_type<sc_vector_subcore>, window_params = [{transform_indices = #map}, {transform_indices = #map1}, {transform_indices = #map}, {transform_indices = #map2}]} {
    %mul3A = arith.constant 640 : i32
    %mul3A_0 = arith.muli %arg1, %mul3A : i32
    "tpu.region"() ({
      %run_scoped3A_64 = tpu.sem_alloc : memref<!tpu.dma_semaphore, #tpu.memory_space<semaphore_mem>>
      %dma_start3A_65 = arith.constant 0 : i32
      %dma_start3A_66 = tpu.memref_slice %arg8[%mul3A_0, %dma_start3A_65] : memref<10240x128xf32, #tpu.memory_space<vmem_shared>> -> memref<640x128xf32, #tpu.memory_space<vmem_shared>>
      tpu.enqueue_dma source(%arg4 : memref<640x128xf32, #tpu.memory_space<hbm>>) target(%dma_start3A_66 : memref<640x128xf32, #tpu.memory_space<vmem_shared>>) target_semaphore(%run_scoped3A_64 : memref<!tpu.dma_semaphore, #tpu.memory_space<semaphore_mem>>)
      %dma_wait3A_67 = arith.constant 0 : i32
      %dma_wait3A_68 = tpu.memref_slice %arg8[%mul3A_0, %dma_wait3A_67] : memref<10240x128xf32, #tpu.memory_space<vmem_shared>> -> memref<640x128xf32, #tpu.memory_space<vmem_shared>>
      tpu.wait_dma2 semaphore(%run_scoped3A_64 : memref<!tpu.dma_semaphore, #tpu.memory_space<semaphore_mem>>) src(%arg4 : memref<640x128xf32, #tpu.memory_space<hbm>>) dst(%dma_wait3A_68 : memref<640x128xf32, #tpu.memory_space<vmem_shared>>)
      tpu.yield
    }) : () -> ()
    %run_scoped3A = arith.constant 0 : i32
    %run_scoped3A_1 = arith.constant 0 : i32
    "tpu.region"() ({
      %run_scoped3A_64 = tpu.sem_alloc : memref<!tpu.dma_semaphore, #tpu.memory_space<semaphore_mem>>
      %dma_start3A_65 = arith.constant 0 : i32
      %dma_start3A_66 = arith.constant 0 : i32
      %dma_start3A_67 = arith.constant 0 : i32
      %dma_start3A_68 = tpu.memref_slice %arg6[%run_scoped3A_1, %dma_start3A_65, %dma_start3A_66, %dma_start3A_67] : memref<2x2x16x128xi32, #tpu.memory_space<vmem>> -> memref<1x2x16x128xi32, #tpu.memory_space<vmem>>
      %dma_start3A_69 = tpu.memref_squeeze %dma_start3A_68 : memref<1x2x16x128xi32, #tpu.memory_space<vmem>> -> memref<2x16x128xi32, #tpu.memory_space<vmem>>
      %dma_start3A_70 = arith.constant 0 : i32
      %dma_start3A_71 = arith.constant 0 : i32
      %dma_start3A_72 = arith.constant 0 : i32
      %dma_start3A_73 = tpu.memref_slice %arg3[%arg0, %arg1, %run_scoped3A, %dma_start3A_70, %dma_start3A_71, %dma_start3A_72] : memref<2x16x5x2x16x128xi32, #tpu.memory_space<hbm>> -> memref<1x1x1x2x16x128xi32, #tpu.memory_space<hbm>>
      %dma_start3A_74 = tpu.memref_squeeze %dma_start3A_73 : memref<1x1x1x2x16x128xi32, #tpu.memory_space<hbm>> -> memref<2x16x128xi32, #tpu.memory_space<hbm>>
      %dma_start3A_75 = arith.constant 0 : i32
      %dma_start3A_76 = arith.constant 0 : i32
      %dma_start3A_77 = arith.constant 0 : i32
      %dma_start3A_78 = tpu.memref_slice %arg6[%run_scoped3A_1, %dma_start3A_75, %dma_start3A_76, %dma_start3A_77] : memref<2x2x16x128xi32, #tpu.memory_space<vmem>> -> memref<1x2x16x128xi32, #tpu.memory_space<vmem>>
      %dma_start3A_79 = tpu.memref_squeeze %dma_start3A_78 : memref<1x2x16x128xi32, #tpu.memory_space<vmem>> -> memref<2x16x128xi32, #tpu.memory_space<vmem>>
      %dma_start3A_80 = arith.constant 0 : i32
      %dma_start3A_81 = arith.constant 0 : i32
      %dma_start3A_82 = arith.constant 0 : i32
      %dma_start3A_83 = tpu.memref_slice %arg3[%arg0, %arg1, %run_scoped3A, %dma_start3A_80, %dma_start3A_81, %dma_start3A_82] : memref<2x16x5x2x16x128xi32, #tpu.memory_space<hbm>> -> memref<1x1x1x2x16x128xi32, #tpu.memory_space<hbm>>
      %dma_start3A_84 = tpu.memref_squeeze %dma_start3A_83 : memref<1x1x1x2x16x128xi32, #tpu.memory_space<hbm>> -> memref<2x16x128xi32, #tpu.memory_space<hbm>>
      tpu.enqueue_dma source(%dma_start3A_84 : memref<2x16x128xi32, #tpu.memory_space<hbm>>) target(%dma_start3A_79 : memref<2x16x128xi32, #tpu.memory_space<vmem>>) target_semaphore(%run_scoped3A_64 : memref<!tpu.dma_semaphore, #tpu.memory_space<semaphore_mem>>)
      %dma_wait3A_85 = arith.constant 0 : i32
      %dma_wait3A_86 = arith.constant 0 : i32
      %dma_wait3A_87 = arith.constant 0 : i32
      %dma_wait3A_88 = tpu.memref_slice %arg6[%run_scoped3A_1, %dma_wait3A_85, %dma_wait3A_86, %dma_wait3A_87] : memref<2x2x16x128xi32, #tpu.memory_space<vmem>> -> memref<1x2x16x128xi32, #tpu.memory_space<vmem>>
      %dma_wait3A_89 = tpu.memref_squeeze %dma_wait3A_88 : memref<1x2x16x128xi32, #tpu.memory_space<vmem>> -> memref<2x16x128xi32, #tpu.memory_space<vmem>>
      %dma_wait3A_90 = arith.constant 0 : i32
      %dma_wait3A_91 = arith.constant 0 : i32
      %dma_wait3A_92 = arith.constant 0 : i32
      %dma_wait3A_93 = tpu.memref_slice %arg3[%arg0, %arg1, %run_scoped3A, %dma_wait3A_90, %dma_wait3A_91, %dma_wait3A_92] : memref<2x16x5x2x16x128xi32, #tpu.memory_space<hbm>> -> memref<1x1x1x2x16x128xi32, #tpu.memory_space<hbm>>
      %dma_wait3A_94 = tpu.memref_squeeze %dma_wait3A_93 : memref<1x1x1x2x16x128xi32, #tpu.memory_space<hbm>> -> memref<2x16x128xi32, #tpu.memory_space<hbm>>
      %dma_wait3A_95 = arith.constant 0 : i32
      %dma_wait3A_96 = arith.constant 0 : i32
      %dma_wait3A_97 = arith.constant 0 : i32
      %dma_wait3A_98 = tpu.memref_slice %arg6[%run_scoped3A_1, %dma_wait3A_95, %dma_wait3A_96, %dma_wait3A_97] : memref<2x2x16x128xi32, #tpu.memory_space<vmem>> -> memref<1x2x16x128xi32, #tpu.memory_space<vmem>>
      %dma_wait3A_99 = tpu.memref_squeeze %dma_wait3A_98 : memref<1x2x16x128xi32, #tpu.memory_space<vmem>> -> memref<2x16x128xi32, #tpu.memory_space<vmem>>
      %dma_wait3A_100 = arith.constant 0 : i32
      %dma_wait3A_101 = arith.constant 0 : i32
      %dma_wait3A_102 = arith.constant 0 : i32
      %dma_wait3A_103 = tpu.memref_slice %arg3[%arg0, %arg1, %run_scoped3A, %dma_wait3A_100, %dma_wait3A_101, %dma_wait3A_102] : memref<2x16x5x2x16x128xi32, #tpu.memory_space<hbm>> -> memref<1x1x1x2x16x128xi32, #tpu.memory_space<hbm>>
      %dma_wait3A_104 = tpu.memref_squeeze %dma_wait3A_103 : memref<1x1x1x2x16x128xi32, #tpu.memory_space<hbm>> -> memref<2x16x128xi32, #tpu.memory_space<hbm>>
      tpu.wait_dma2 semaphore(%run_scoped3A_64 : memref<!tpu.dma_semaphore, #tpu.memory_space<semaphore_mem>>) src(%dma_wait3A_104 : memref<2x16x128xi32, #tpu.memory_space<hbm>>) dst(%dma_wait3A_99 : memref<2x16x128xi32, #tpu.memory_space<vmem>>)
      tpu.yield
    }) : () -> ()
    %barrier3A = arith.constant 0 : index
    tpu.barrier barrier_id(%barrier3A)
    %dma_start3A = arith.constant 1 : i32
    %dma_start3A_2 = arith.constant 1 : i32
    %dma_start3A_3 = arith.constant 1 : i32
    %dma_start3A_4 = arith.constant 0 : i32
    %dma_start3A_5 = arith.constant 0 : i32
    %dma_start3A_6 = arith.constant 0 : i32
    %dma_start3A_7 = tpu.memref_slice %arg6[%dma_start3A_2, %dma_start3A_4, %dma_start3A_5, %dma_start3A_6] : memref<2x2x16x128xi32, #tpu.memory_space<vmem>> -> memref<1x2x16x128xi32, #tpu.memory_space<vmem>>
    %dma_start3A_8 = tpu.memref_squeeze %dma_start3A_7 : memref<1x2x16x128xi32, #tpu.memory_space<vmem>> -> memref<2x16x128xi32, #tpu.memory_space<vmem>>
    %dma_start3A_9 = arith.constant 0 : i32
    %dma_start3A_10 = arith.constant 0 : i32
    %dma_start3A_11 = arith.constant 0 : i32
    %dma_start3A_12 = tpu.memref_slice %arg3[%arg0, %arg1, %dma_start3A, %dma_start3A_9, %dma_start3A_10, %dma_start3A_11] : memref<2x16x5x2x16x128xi32, #tpu.memory_space<hbm>> -> memref<1x1x1x2x16x128xi32, #tpu.memory_space<hbm>>
    %dma_start3A_13 = tpu.memref_squeeze %dma_start3A_12 : memref<1x1x1x2x16x128xi32, #tpu.memory_space<hbm>> -> memref<2x16x128xi32, #tpu.memory_space<hbm>>
    %dma_start3A_14 = tpu.memref_slice %arg9[%dma_start3A_3] : memref<2x!tpu.dma_semaphore, #tpu.memory_space<semaphore_mem>> -> memref<1x!tpu.dma_semaphore, #tpu.memory_space<semaphore_mem>>
    %dma_start3A_15 = tpu.memref_squeeze %dma_start3A_14 : memref<1x!tpu.dma_semaphore, #tpu.memory_space<semaphore_mem>> -> memref<!tpu.dma_semaphore, #tpu.memory_space<semaphore_mem>>
    %dma_start3A_16 = arith.constant 0 : i32
    %dma_start3A_17 = arith.constant 0 : i32
    %dma_start3A_18 = arith.constant 0 : i32
    %dma_start3A_19 = tpu.memref_slice %arg6[%dma_start3A_2, %dma_start3A_16, %dma_start3A_17, %dma_start3A_18] : memref<2x2x16x128xi32, #tpu.memory_space<vmem>> -> memref<1x2x16x128xi32, #tpu.memory_space<vmem>>
    %dma_start3A_20 = tpu.memref_squeeze %dma_start3A_19 : memref<1x2x16x128xi32, #tpu.memory_space<vmem>> -> memref<2x16x128xi32, #tpu.memory_space<vmem>>
    %dma_start3A_21 = arith.constant 0 : i32
    %dma_start3A_22 = arith.constant 0 : i32
    %dma_start3A_23 = arith.constant 0 : i32
    %dma_start3A_24 = tpu.memref_slice %arg3[%arg0, %arg1, %dma_start3A, %dma_start3A_21, %dma_start3A_22, %dma_start3A_23] : memref<2x16x5x2x16x128xi32, #tpu.memory_space<hbm>> -> memref<1x1x1x2x16x128xi32, #tpu.memory_space<hbm>>
    %dma_start3A_25 = tpu.memref_squeeze %dma_start3A_24 : memref<1x1x1x2x16x128xi32, #tpu.memory_space<hbm>> -> memref<2x16x128xi32, #tpu.memory_space<hbm>>
    tpu.enqueue_dma source(%dma_start3A_25 : memref<2x16x128xi32, #tpu.memory_space<hbm>>) target(%dma_start3A_20 : memref<2x16x128xi32, #tpu.memory_space<vmem>>) target_semaphore(%dma_start3A_15 : memref<!tpu.dma_semaphore, #tpu.memory_space<semaphore_mem>>)
    %scan3A = arith.constant 0 : i32
    %scan3A_26 = arith.constant 80 : i32
    %scan3A_27 = arith.addi %scan3A, %scan3A_26 : i32
    %scan3A_28 = arith.constant 1 : i32
    scf.for %scan3A_64 = %scan3A to %scan3A_27 step %scan3A_28  : i32 {
      %mul3A_65 = arith.constant 1 : i32
      %mul3A_66 = arith.muli %scan3A_64, %mul3A_65 : i32
      %add3A = arith.constant 0 : i32
      %add3A_67 = arith.addi %add3A, %mul3A_66 : i32
      %and3A = arith.constant 1 : i32
      %and3A_68 = arith.andi %add3A_67, %and3A : i32
      %shift_right_arithmetic3A = arith.constant 4 : i32
      %shift_right_arithmetic3A_69 = arith.shrsi %add3A_67, %shift_right_arithmetic3A : i32
      %and3A_70 = arith.constant 15 : i32
      %and3A_71 = arith.andi %add3A_67, %and3A_70 : i32
      %and3A_72 = arith.constant 1 : i32
      %and3A_73 = arith.andi %shift_right_arithmetic3A_69, %and3A_72 : i32
      %eq3A = arith.constant 0 : i32
      %eq3A_74 = arith.cmpi eq, %and3A_71, %eq3A : i32
      %gt3A = arith.constant 0 : i32
      %gt3A_75 = arith.cmpi sgt, %add3A_67, %gt3A : i32
      %and3A_76 = arith.andi %eq3A_74, %gt3A_75 : i1
      %convert_element_type3A = arith.extui %and3A_76 : i1 to i32
      %cond3A = arith.constant 0 : i32
      %cond3A_77 = arith.cmpi ne, %convert_element_type3A, %cond3A : i32
      scf.if %cond3A_77 {
        %dma_wait3A_126 = arith.constant 0 : i32
        %dma_wait3A_127 = arith.constant 0 : i32
        %dma_wait3A_128 = arith.constant 0 : i32
        %dma_wait3A_129 = tpu.memref_slice %arg6[%and3A_73, %dma_wait3A_126, %dma_wait3A_127, %dma_wait3A_128] : memref<2x2x16x128xi32, #tpu.memory_space<vmem>> -> memref<1x2x16x128xi32, #tpu.memory_space<vmem>>
        %dma_wait3A_130 = tpu.memref_squeeze %dma_wait3A_129 : memref<1x2x16x128xi32, #tpu.memory_space<vmem>> -> memref<2x16x128xi32, #tpu.memory_space<vmem>>
        %dma_wait3A_131 = arith.constant 0 : i32
        %dma_wait3A_132 = arith.constant 0 : i32
        %dma_wait3A_133 = arith.constant 0 : i32
        %dma_wait3A_134 = tpu.memref_slice %arg3[%arg0, %arg1, %shift_right_arithmetic3A_69, %dma_wait3A_131, %dma_wait3A_132, %dma_wait3A_133] : memref<2x16x5x2x16x128xi32, #tpu.memory_space<hbm>> -> memref<1x1x1x2x16x128xi32, #tpu.memory_space<hbm>>
        %dma_wait3A_135 = tpu.memref_squeeze %dma_wait3A_134 : memref<1x1x1x2x16x128xi32, #tpu.memory_space<hbm>> -> memref<2x16x128xi32, #tpu.memory_space<hbm>>
        %dma_wait3A_136 = tpu.memref_slice %arg9[%and3A_73] : memref<2x!tpu.dma_semaphore, #tpu.memory_space<semaphore_mem>> -> memref<1x!tpu.dma_semaphore, #tpu.memory_space<semaphore_mem>>
        %dma_wait3A_137 = tpu.memref_squeeze %dma_wait3A_136 : memref<1x!tpu.dma_semaphore, #tpu.memory_space<semaphore_mem>> -> memref<!tpu.dma_semaphore, #tpu.memory_space<semaphore_mem>>
        %dma_wait3A_138 = arith.constant 0 : i32
        %dma_wait3A_139 = arith.constant 0 : i32
        %dma_wait3A_140 = arith.constant 0 : i32
        %dma_wait3A_141 = tpu.memref_slice %arg6[%and3A_73, %dma_wait3A_138, %dma_wait3A_139, %dma_wait3A_140] : memref<2x2x16x128xi32, #tpu.memory_space<vmem>> -> memref<1x2x16x128xi32, #tpu.memory_space<vmem>>
        %dma_wait3A_142 = tpu.memref_squeeze %dma_wait3A_141 : memref<1x2x16x128xi32, #tpu.memory_space<vmem>> -> memref<2x16x128xi32, #tpu.memory_space<vmem>>
        %dma_wait3A_143 = arith.constant 0 : i32
        %dma_wait3A_144 = arith.constant 0 : i32
        %dma_wait3A_145 = arith.constant 0 : i32
        %dma_wait3A_146 = tpu.memref_slice %arg3[%arg0, %arg1, %shift_right_arithmetic3A_69, %dma_wait3A_143, %dma_wait3A_144, %dma_wait3A_145] : memref<2x16x5x2x16x128xi32, #tpu.memory_space<hbm>> -> memref<1x1x1x2x16x128xi32, #tpu.memory_space<hbm>>
        %dma_wait3A_147 = tpu.memref_squeeze %dma_wait3A_146 : memref<1x1x1x2x16x128xi32, #tpu.memory_space<hbm>> -> memref<2x16x128xi32, #tpu.memory_space<hbm>>
        tpu.wait_dma2 semaphore(%dma_wait3A_137 : memref<!tpu.dma_semaphore, #tpu.memory_space<semaphore_mem>>) src(%dma_wait3A_147 : memref<2x16x128xi32, #tpu.memory_space<hbm>>) dst(%dma_wait3A_142 : memref<2x16x128xi32, #tpu.memory_space<vmem>>)
      } else {
      }
      %ge3A = arith.constant 2 : i32
      %ge3A_78 = arith.cmpi sge, %add3A_67, %ge3A : i32
      %convert_element_type3A_79 = arith.extui %ge3A_78 : i1 to i32
      %cond3A_80 = arith.constant 0 : i32
      %cond3A_81 = arith.cmpi ne, %convert_element_type3A_79, %cond3A_80 : i32
      scf.if %cond3A_81 {
        %dma_wait3A_126 = arith.constant 0 : i32
        %dma_wait3A_127 = arith.constant 1 : i32
        %dma_wait3A_128 = arith.constant 0 : i32
        %dma_wait3A_129 = arith.constant 0 : i32
        %dma_wait3A_130 = arith.constant 0 : i32
        %dma_wait3A_131 = tpu.memref_slice %arg7[%and3A_68, %dma_wait3A_129, %dma_wait3A_130] : memref<2x128x128xf32, #tpu.memory_space<vmem>> -> memref<1x128x128xf32, #tpu.memory_space<vmem>>
        %dma_wait3A_132 = tpu.memref_squeeze %dma_wait3A_131 : memref<1x128x128xf32, #tpu.memory_space<vmem>> -> memref<128x128xf32, #tpu.memory_space<vmem>>
        %dma_wait3A_133 = arith.constant 0 : i32
        %dma_wait3A_134 = tpu.memref_slice %arg6[%dma_wait3A_126, %dma_wait3A_127, %dma_wait3A_128, %dma_wait3A_133] : memref<2x2x16x128xi32, #tpu.memory_space<vmem>> -> memref<1x1x1x128xi32, #tpu.memory_space<vmem>>
        %dma_wait3A_135 = tpu.memref_squeeze %dma_wait3A_134 : memref<1x1x1x128xi32, #tpu.memory_space<vmem>> -> memref<128xi32, #tpu.memory_space<vmem>>
        %dma_wait3A_136 = arith.constant 0 : i32
        %dma_wait3A_137 = arith.constant 0 : i32
        %dma_wait3A_138 = tpu.memref_slice %arg8[%dma_wait3A_136, %dma_wait3A_137] : memref<10240x128xf32, #tpu.memory_space<vmem_shared>> -> memref<10240x128xf32, #tpu.memory_space<vmem_shared>>
        %dma_wait3A_139 = tpu.memref_slice %arg11[%and3A_68] : memref<2x!tpu.dma_semaphore, #tpu.memory_space<semaphore_mem>> -> memref<1x!tpu.dma_semaphore, #tpu.memory_space<semaphore_mem>>
        %dma_wait3A_140 = tpu.memref_squeeze %dma_wait3A_139 : memref<1x!tpu.dma_semaphore, #tpu.memory_space<semaphore_mem>> -> memref<!tpu.dma_semaphore, #tpu.memory_space<semaphore_mem>>
        tpu.wait_indirect_dma semaphore(%dma_wait3A_140 : memref<!tpu.dma_semaphore, #tpu.memory_space<semaphore_mem>>) src(%dma_wait3A_132 : memref<128x128xf32, #tpu.memory_space<vmem>>) dst(%dma_wait3A_138 : memref<10240x128xf32, #tpu.memory_space<vmem_shared>>)
      } else {
      }
      %eq3A_82 = arith.constant 1 : i32
      %eq3A_83 = arith.cmpi eq, %and3A_71, %eq3A_82 : i32
      %add3A_84 = arith.constant 1 : i32
      %add3A_85 = arith.addi %shift_right_arithmetic3A_69, %add3A_84 : i32
      %lt3A = arith.constant 5 : i32
      %lt3A_86 = arith.cmpi slt, %add3A_85, %lt3A : i32
      %and3A_87 = arith.andi %eq3A_83, %lt3A_86 : i1
      %convert_element_type3A_88 = arith.extui %and3A_87 : i1 to i32
      %cond3A_89 = arith.constant 0 : i32
      %cond3A_90 = arith.cmpi ne, %convert_element_type3A_88, %cond3A_89 : i32
      scf.if %cond3A_90 {
        %add3A_126 = arith.constant 1 : i32
        %add3A_127 = arith.addi %shift_right_arithmetic3A_69, %add3A_126 : i32
        %and3A_128 = arith.constant 1 : i32
        %and3A_129 = arith.andi %add3A_127, %and3A_128 : i32
        %add3A_130 = arith.constant 1 : i32
        %add3A_131 = arith.addi %shift_right_arithmetic3A_69, %add3A_130 : i32
        %dma_start3A_132 = arith.constant 0 : i32
        %dma_start3A_133 = arith.constant 0 : i32
        %dma_start3A_134 = arith.constant 0 : i32
        %dma_start3A_135 = tpu.memref_slice %arg6[%and3A_129, %dma_start3A_132, %dma_start3A_133, %dma_start3A_134] : memref<2x2x16x128xi32, #tpu.memory_space<vmem>> -> memref<1x2x16x128xi32, #tpu.memory_space<vmem>>
        %dma_start3A_136 = tpu.memref_squeeze %dma_start3A_135 : memref<1x2x16x128xi32, #tpu.memory_space<vmem>> -> memref<2x16x128xi32, #tpu.memory_space<vmem>>
        %dma_start3A_137 = arith.constant 0 : i32
        %dma_start3A_138 = arith.constant 0 : i32
        %dma_start3A_139 = arith.constant 0 : i32
        %dma_start3A_140 = tpu.memref_slice %arg3[%arg0, %arg1, %add3A_131, %dma_start3A_137, %dma_start3A_138, %dma_start3A_139] : memref<2x16x5x2x16x128xi32, #tpu.memory_space<hbm>> -> memref<1x1x1x2x16x128xi32, #tpu.memory_space<hbm>>
        %dma_start3A_141 = tpu.memref_squeeze %dma_start3A_140 : memref<1x1x1x2x16x128xi32, #tpu.memory_space<hbm>> -> memref<2x16x128xi32, #tpu.memory_space<hbm>>
        %dma_start3A_142 = tpu.memref_slice %arg9[%and3A_129] : memref<2x!tpu.dma_semaphore, #tpu.memory_space<semaphore_mem>> -> memref<1x!tpu.dma_semaphore, #tpu.memory_space<semaphore_mem>>
        %dma_start3A_143 = tpu.memref_squeeze %dma_start3A_142 : memref<1x!tpu.dma_semaphore, #tpu.memory_space<semaphore_mem>> -> memref<!tpu.dma_semaphore, #tpu.memory_space<semaphore_mem>>
        %dma_start3A_144 = arith.constant 0 : i32
        %dma_start3A_145 = arith.constant 0 : i32
        %dma_start3A_146 = arith.constant 0 : i32
        %dma_start3A_147 = tpu.memref_slice %arg6[%and3A_129, %dma_start3A_144, %dma_start3A_145, %dma_start3A_146] : memref<2x2x16x128xi32, #tpu.memory_space<vmem>> -> memref<1x2x16x128xi32, #tpu.memory_space<vmem>>
        %dma_start3A_148 = tpu.memref_squeeze %dma_start3A_147 : memref<1x2x16x128xi32, #tpu.memory_space<vmem>> -> memref<2x16x128xi32, #tpu.memory_space<vmem>>
        %dma_start3A_149 = arith.constant 0 : i32
        %dma_start3A_150 = arith.constant 0 : i32
        %dma_start3A_151 = arith.constant 0 : i32
        %dma_start3A_152 = tpu.memref_slice %arg3[%arg0, %arg1, %add3A_131, %dma_start3A_149, %dma_start3A_150, %dma_start3A_151] : memref<2x16x5x2x16x128xi32, #tpu.memory_space<hbm>> -> memref<1x1x1x2x16x128xi32, #tpu.memory_space<hbm>>
        %dma_start3A_153 = tpu.memref_squeeze %dma_start3A_152 : memref<1x1x1x2x16x128xi32, #tpu.memory_space<hbm>> -> memref<2x16x128xi32, #tpu.memory_space<hbm>>
        tpu.enqueue_dma source(%dma_start3A_153 : memref<2x16x128xi32, #tpu.memory_space<hbm>>) target(%dma_start3A_148 : memref<2x16x128xi32, #tpu.memory_space<vmem>>) target_semaphore(%dma_start3A_143 : memref<!tpu.dma_semaphore, #tpu.memory_space<semaphore_mem>>)
      } else {
      }
      %dma_start3A_91 = arith.constant 0 : i32
      %dma_start3A_92 = arith.constant 0 : i32
      %dma_start3A_93 = arith.constant 0 : i32
      %dma_start3A_94 = tpu.memref_slice %arg7[%and3A_68, %dma_start3A_92, %dma_start3A_93] : memref<2x128x128xf32, #tpu.memory_space<vmem>> -> memref<1x128x128xf32, #tpu.memory_space<vmem>>
      %dma_start3A_95 = tpu.memref_squeeze %dma_start3A_94 : memref<1x128x128xf32, #tpu.memory_space<vmem>> -> memref<128x128xf32, #tpu.memory_space<vmem>>
      %dma_start3A_96 = arith.constant 0 : i32
      %dma_start3A_97 = tpu.memref_slice %arg6[%and3A_73, %dma_start3A_91, %and3A_71, %dma_start3A_96] : memref<2x2x16x128xi32, #tpu.memory_space<vmem>> -> memref<1x1x1x128xi32, #tpu.memory_space<vmem>>
      %dma_start3A_98 = tpu.memref_squeeze %dma_start3A_97 : memref<1x1x1x128xi32, #tpu.memory_space<vmem>> -> memref<128xi32, #tpu.memory_space<vmem>>
      %dma_start3A_99 = arith.constant 0 : i32
      %dma_start3A_100 = arith.constant 0 : i32
      %dma_start3A_101 = tpu.memref_slice %arg2[%dma_start3A_99, %dma_start3A_100] : memref<20480x128xf32, #tpu.memory_space<hbm>> -> memref<20480x128xf32, #tpu.memory_space<hbm>>
      tpu.enqueue_indirect_dma source(%dma_start3A_101 : memref<20480x128xf32, #tpu.memory_space<hbm>>) target(%dma_start3A_95 : memref<128x128xf32, #tpu.memory_space<vmem>>) offsets(%dma_start3A_98 : memref<128xi32, #tpu.memory_space<vmem>>) semaphore(%arg10 : memref<!tpu.dma_semaphore, #tpu.memory_space<semaphore_mem>>)
      %dma_wait3A_102 = arith.constant 0 : i32
      %dma_wait3A_103 = arith.constant 0 : i32
      %dma_wait3A_104 = arith.constant 0 : i32
      %dma_wait3A_105 = tpu.memref_slice %arg7[%and3A_68, %dma_wait3A_103, %dma_wait3A_104] : memref<2x128x128xf32, #tpu.memory_space<vmem>> -> memref<1x128x128xf32, #tpu.memory_space<vmem>>
      %dma_wait3A_106 = tpu.memref_squeeze %dma_wait3A_105 : memref<1x128x128xf32, #tpu.memory_space<vmem>> -> memref<128x128xf32, #tpu.memory_space<vmem>>
      %dma_wait3A_107 = arith.constant 0 : i32
      %dma_wait3A_108 = tpu.memref_slice %arg6[%and3A_73, %dma_wait3A_102, %and3A_71, %dma_wait3A_107] : memref<2x2x16x128xi32, #tpu.memory_space<vmem>> -> memref<1x1x1x128xi32, #tpu.memory_space<vmem>>
      %dma_wait3A_109 = tpu.memref_squeeze %dma_wait3A_108 : memref<1x1x1x128xi32, #tpu.memory_space<vmem>> -> memref<128xi32, #tpu.memory_space<vmem>>
      %dma_wait3A_110 = arith.constant 0 : i32
      %dma_wait3A_111 = arith.constant 0 : i32
      %dma_wait3A_112 = tpu.memref_slice %arg2[%dma_wait3A_110, %dma_wait3A_111] : memref<20480x128xf32, #tpu.memory_space<hbm>> -> memref<20480x128xf32, #tpu.memory_space<hbm>>
      tpu.wait_indirect_dma semaphore(%arg10 : memref<!tpu.dma_semaphore, #tpu.memory_space<semaphore_mem>>) src(%dma_wait3A_112 : memref<20480x128xf32, #tpu.memory_space<hbm>>) dst(%dma_wait3A_106 : memref<128x128xf32, #tpu.memory_space<vmem>>)
      %dma_start3A_113 = arith.constant 1 : i32
      %dma_start3A_114 = arith.constant 0 : i32
      %dma_start3A_115 = arith.constant 0 : i32
      %dma_start3A_116 = tpu.memref_slice %arg7[%and3A_68, %dma_start3A_114, %dma_start3A_115] : memref<2x128x128xf32, #tpu.memory_space<vmem>> -> memref<1x128x128xf32, #tpu.memory_space<vmem>>
      %dma_start3A_117 = tpu.memref_squeeze %dma_start3A_116 : memref<1x128x128xf32, #tpu.memory_space<vmem>> -> memref<128x128xf32, #tpu.memory_space<vmem>>
      %dma_start3A_118 = arith.constant 0 : i32
      %dma_start3A_119 = tpu.memref_slice %arg6[%and3A_73, %dma_start3A_113, %and3A_71, %dma_start3A_118] : memref<2x2x16x128xi32, #tpu.memory_space<vmem>> -> memref<1x1x1x128xi32, #tpu.memory_space<vmem>>
      %dma_start3A_120 = tpu.memref_squeeze %dma_start3A_119 : memref<1x1x1x128xi32, #tpu.memory_space<vmem>> -> memref<128xi32, #tpu.memory_space<vmem>>
      %dma_start3A_121 = arith.constant 0 : i32
      %dma_start3A_122 = arith.constant 0 : i32
      %dma_start3A_123 = tpu.memref_slice %arg8[%dma_start3A_121, %dma_start3A_122] : memref<10240x128xf32, #tpu.memory_space<vmem_shared>> -> memref<10240x128xf32, #tpu.memory_space<vmem_shared>>
      %dma_start3A_124 = tpu.memref_slice %arg11[%and3A_68] : memref<2x!tpu.dma_semaphore, #tpu.memory_space<semaphore_mem>> -> memref<1x!tpu.dma_semaphore, #tpu.memory_space<semaphore_mem>>
      %dma_start3A_125 = tpu.memref_squeeze %dma_start3A_124 : memref<1x!tpu.dma_semaphore, #tpu.memory_space<semaphore_mem>> -> memref<!tpu.dma_semaphore, #tpu.memory_space<semaphore_mem>>
      tpu.enqueue_indirect_dma source(%dma_start3A_117 : memref<128x128xf32, #tpu.memory_space<vmem>>) target(%dma_start3A_123 : memref<10240x128xf32, #tpu.memory_space<vmem_shared>>) offsets(%dma_start3A_120 : memref<128xi32, #tpu.memory_space<vmem>>) semaphore(%dma_start3A_125 : memref<!tpu.dma_semaphore, #tpu.memory_space<semaphore_mem>>) {add = true}
    }
    %scan3A_29 = arith.constant 80 : i32
    %dma_wait3A = arith.constant 0 : i32
    %dma_wait3A_30 = arith.constant 0 : i32
    %dma_wait3A_31 = arith.constant 1 : i32
    %dma_wait3A_32 = arith.constant 0 : i32
    %dma_wait3A_33 = arith.constant 0 : i32
    %dma_wait3A_34 = arith.constant 0 : i32
    %dma_wait3A_35 = arith.constant 0 : i32
    %dma_wait3A_36 = tpu.memref_slice %arg7[%dma_wait3A, %dma_wait3A_34, %dma_wait3A_35] : memref<2x128x128xf32, #tpu.memory_space<vmem>> -> memref<1x128x128xf32, #tpu.memory_space<vmem>>
    %dma_wait3A_37 = tpu.memref_squeeze %dma_wait3A_36 : memref<1x128x128xf32, #tpu.memory_space<vmem>> -> memref<128x128xf32, #tpu.memory_space<vmem>>
    %dma_wait3A_38 = arith.constant 0 : i32
    %dma_wait3A_39 = tpu.memref_slice %arg6[%dma_wait3A_30, %dma_wait3A_31, %dma_wait3A_32, %dma_wait3A_38] : memref<2x2x16x128xi32, #tpu.memory_space<vmem>> -> memref<1x1x1x128xi32, #tpu.memory_space<vmem>>
    %dma_wait3A_40 = tpu.memref_squeeze %dma_wait3A_39 : memref<1x1x1x128xi32, #tpu.memory_space<vmem>> -> memref<128xi32, #tpu.memory_space<vmem>>
    %dma_wait3A_41 = arith.constant 0 : i32
    %dma_wait3A_42 = arith.constant 0 : i32
    %dma_wait3A_43 = tpu.memref_slice %arg8[%dma_wait3A_41, %dma_wait3A_42] : memref<10240x128xf32, #tpu.memory_space<vmem_shared>> -> memref<10240x128xf32, #tpu.memory_space<vmem_shared>>
    %dma_wait3A_44 = tpu.memref_slice %arg11[%dma_wait3A_33] : memref<2x!tpu.dma_semaphore, #tpu.memory_space<semaphore_mem>> -> memref<1x!tpu.dma_semaphore, #tpu.memory_space<semaphore_mem>>
    %dma_wait3A_45 = tpu.memref_squeeze %dma_wait3A_44 : memref<1x!tpu.dma_semaphore, #tpu.memory_space<semaphore_mem>> -> memref<!tpu.dma_semaphore, #tpu.memory_space<semaphore_mem>>
    tpu.wait_indirect_dma semaphore(%dma_wait3A_45 : memref<!tpu.dma_semaphore, #tpu.memory_space<semaphore_mem>>) src(%dma_wait3A_37 : memref<128x128xf32, #tpu.memory_space<vmem>>) dst(%dma_wait3A_43 : memref<10240x128xf32, #tpu.memory_space<vmem_shared>>)
    %dma_wait3A_46 = arith.constant 1 : i32
    %dma_wait3A_47 = arith.constant 0 : i32
    %dma_wait3A_48 = arith.constant 1 : i32
    %dma_wait3A_49 = arith.constant 0 : i32
    %dma_wait3A_50 = arith.constant 1 : i32
    %dma_wait3A_51 = arith.constant 0 : i32
    %dma_wait3A_52 = arith.constant 0 : i32
    %dma_wait3A_53 = tpu.memref_slice %arg7[%dma_wait3A_46, %dma_wait3A_51, %dma_wait3A_52] : memref<2x128x128xf32, #tpu.memory_space<vmem>> -> memref<1x128x128xf32, #tpu.memory_space<vmem>>
    %dma_wait3A_54 = tpu.memref_squeeze %dma_wait3A_53 : memref<1x128x128xf32, #tpu.memory_space<vmem>> -> memref<128x128xf32, #tpu.memory_space<vmem>>
    %dma_wait3A_55 = arith.constant 0 : i32
    %dma_wait3A_56 = tpu.memref_slice %arg6[%dma_wait3A_47, %dma_wait3A_48, %dma_wait3A_49, %dma_wait3A_55] : memref<2x2x16x128xi32, #tpu.memory_space<vmem>> -> memref<1x1x1x128xi32, #tpu.memory_space<vmem>>
    %dma_wait3A_57 = tpu.memref_squeeze %dma_wait3A_56 : memref<1x1x1x128xi32, #tpu.memory_space<vmem>> -> memref<128xi32, #tpu.memory_space<vmem>>
    %dma_wait3A_58 = arith.constant 0 : i32
    %dma_wait3A_59 = arith.constant 0 : i32
    %dma_wait3A_60 = tpu.memref_slice %arg8[%dma_wait3A_58, %dma_wait3A_59] : memref<10240x128xf32, #tpu.memory_space<vmem_shared>> -> memref<10240x128xf32, #tpu.memory_space<vmem_shared>>
    %dma_wait3A_61 = tpu.memref_slice %arg11[%dma_wait3A_50] : memref<2x!tpu.dma_semaphore, #tpu.memory_space<semaphore_mem>> -> memref<1x!tpu.dma_semaphore, #tpu.memory_space<semaphore_mem>>
    %dma_wait3A_62 = tpu.memref_squeeze %dma_wait3A_61 : memref<1x!tpu.dma_semaphore, #tpu.memory_space<semaphore_mem>> -> memref<!tpu.dma_semaphore, #tpu.memory_space<semaphore_mem>>
    tpu.wait_indirect_dma semaphore(%dma_wait3A_62 : memref<!tpu.dma_semaphore, #tpu.memory_space<semaphore_mem>>) src(%dma_wait3A_54 : memref<128x128xf32, #tpu.memory_space<vmem>>) dst(%dma_wait3A_60 : memref<10240x128xf32, #tpu.memory_space<vmem_shared>>)
    %barrier3A_63 = arith.constant 0 : index
    tpu.barrier barrier_id(%barrier3A_63)
    "tpu.region"() ({
      %run_scoped3A_64 = tpu.sem_alloc : memref<!tpu.dma_semaphore, #tpu.memory_space<semaphore_mem>>
      %dma_start3A_65 = arith.constant 0 : i32
      %dma_start3A_66 = arith.constant 0 : i32
      %dma_start3A_67 = tpu.memref_slice %arg5[%arg0, %arg1, %dma_start3A_65, %dma_start3A_66] : memref<2x16x640x128xf32, #tpu.memory_space<hbm>> -> memref<1x1x640x128xf32, #tpu.memory_space<hbm>>
      %dma_start3A_68 = tpu.memref_squeeze %dma_start3A_67 : memref<1x1x640x128xf32, #tpu.memory_space<hbm>> -> memref<640x128xf32, #tpu.memory_space<hbm>>
      %dma_start3A_69 = arith.constant 0 : i32
      %dma_start3A_70 = tpu.memref_slice %arg8[%mul3A_0, %dma_start3A_69] : memref<10240x128xf32, #tpu.memory_space<vmem_shared>> -> memref<640x128xf32, #tpu.memory_space<vmem_shared>>
      tpu.enqueue_dma source(%dma_start3A_70 : memref<640x128xf32, #tpu.memory_space<vmem_shared>>) target(%dma_start3A_68 : memref<640x128xf32, #tpu.memory_space<hbm>>) target_semaphore(%run_scoped3A_64 : memref<!tpu.dma_semaphore, #tpu.memory_space<semaphore_mem>>)
      %dma_wait3A_71 = arith.constant 0 : i32
      %dma_wait3A_72 = arith.constant 0 : i32
      %dma_wait3A_73 = tpu.memref_slice %arg5[%arg0, %arg1, %dma_wait3A_71, %dma_wait3A_72] : memref<2x16x640x128xf32, #tpu.memory_space<hbm>> -> memref<1x1x640x128xf32, #tpu.memory_space<hbm>>
      %dma_wait3A_74 = tpu.memref_squeeze %dma_wait3A_73 : memref<1x1x640x128xf32, #tpu.memory_space<hbm>> -> memref<640x128xf32, #tpu.memory_space<hbm>>
      %dma_wait3A_75 = arith.constant 0 : i32
      %dma_wait3A_76 = tpu.memref_slice %arg8[%mul3A_0, %dma_wait3A_75] : memref<10240x128xf32, #tpu.memory_space<vmem_shared>> -> memref<640x128xf32, #tpu.memory_space<vmem_shared>>
      tpu.wait_dma2 semaphore(%run_scoped3A_64 : memref<!tpu.dma_semaphore, #tpu.memory_space<semaphore_mem>>) src(%dma_wait3A_76 : memref<640x128xf32, #tpu.memory_space<vmem_shared>>) dst(%dma_wait3A_74 : memref<640x128xf32, #tpu.memory_space<hbm>>)
      tpu.yield
    }) : () -> ()
    return
  }
}

#map = affine_map<(d0, d1) -> (0, 0)>
#map1 = affine_map<(d0, d1) -> (0, 0, 0, 0, 0, 0)>
#map2 = affine_map<(d0, d1) -> (0, 0, 0, 0)>
module attributes {stable_mosaic.version = 14 : i64} {
  func.func @_propagate_kernel(%arg0: i32, %arg1: i32, %arg2: memref<20480x128xf32, #tpu.memory_space<hbm>>, %arg3: memref<2x16x5x2x16x128xi32, #tpu.memory_space<hbm>>, %arg4: memref<640x128xf32, #tpu.memory_space<hbm>>, %arg5: memref<2x16x640x128xf32, #tpu.memory_space<hbm>>, %arg6: memref<2x2x16x128xi32, #tpu.memory_space<vmem>>, %arg7: memref<2x128x128xf32, #tpu.memory_space<vmem>>, %arg8: memref<10240x128xf32, #tpu.memory_space<vmem_shared>>, %arg9: memref<2x!tpu.dma_semaphore, #tpu.memory_space<semaphore_mem>>, %arg10: memref<!tpu.dma_semaphore, #tpu.memory_space<semaphore_mem>>, %arg11: memref<2x!tpu.dma_semaphore, #tpu.memory_space<semaphore_mem>>) attributes {dimension_semantics = [#tpu.dimension_semantics<core_parallel>, #tpu.dimension_semantics<subcore_parallel>], iteration_bounds = array<i64: 2, 16>, scalar_prefetch = 0 : i64, scratch_operands = 6 : i64, tpu.core_type = #tpu.core_type<sc_vector_subcore>, window_params = [{transform_indices = #map}, {transform_indices = #map1}, {transform_indices = #map}, {transform_indices = #map2}]} {
    %mul3A = arith.constant 640 : i32
    %mul3A_0 = arith.muli %arg1, %mul3A : i32
    "tpu.region"() ({
      %run_scoped3A_64 = tpu.sem_alloc : memref<!tpu.dma_semaphore, #tpu.memory_space<semaphore_mem>>
      %dma_start3A_65 = arith.constant 0 : i32
      %dma_start3A_66 = tpu.memref_slice %arg8[%mul3A_0, %dma_start3A_65] : memref<10240x128xf32, #tpu.memory_space<vmem_shared>> -> memref<640x128xf32, #tpu.memory_space<vmem_shared>>
      tpu.enqueue_dma source(%arg4 : memref<640x128xf32, #tpu.memory_space<hbm>>) target(%dma_start3A_66 : memref<640x128xf32, #tpu.memory_space<vmem_shared>>) target_semaphore(%run_scoped3A_64 : memref<!tpu.dma_semaphore, #tpu.memory_space<semaphore_mem>>)
      %dma_wait3A_67 = arith.constant 0 : i32
      %dma_wait3A_68 = tpu.memref_slice %arg8[%mul3A_0, %dma_wait3A_67] : memref<10240x128xf32, #tpu.memory_space<vmem_shared>> -> memref<640x128xf32, #tpu.memory_space<vmem_shared>>
      tpu.wait_dma2 semaphore(%run_scoped3A_64 : memref<!tpu.dma_semaphore, #tpu.memory_space<semaphore_mem>>) src(%arg4 : memref<640x128xf32, #tpu.memory_space<hbm>>) dst(%dma_wait3A_68 : memref<640x128xf32, #tpu.memory_space<vmem_shared>>)
      tpu.yield
    }) : () -> ()
    %run_scoped3A = arith.constant 0 : i32
    %run_scoped3A_1 = arith.constant 0 : i32
    "tpu.region"() ({
      %run_scoped3A_64 = tpu.sem_alloc : memref<!tpu.dma_semaphore, #tpu.memory_space<semaphore_mem>>
      %dma_start3A_65 = arith.constant 0 : i32
      %dma_start3A_66 = arith.constant 0 : i32
      %dma_start3A_67 = arith.constant 0 : i32
      %dma_start3A_68 = tpu.memref_slice %arg6[%run_scoped3A_1, %dma_start3A_65, %dma_start3A_66, %dma_start3A_67] : memref<2x2x16x128xi32, #tpu.memory_space<vmem>> -> memref<1x2x16x128xi32, #tpu.memory_space<vmem>>
      %dma_start3A_69 = tpu.memref_squeeze %dma_start3A_68 : memref<1x2x16x128xi32, #tpu.memory_space<vmem>> -> memref<2x16x128xi32, #tpu.memory_space<vmem>>
      %dma_start3A_70 = arith.constant 0 : i32
      %dma_start3A_71 = arith.constant 0 : i32
      %dma_start3A_72 = arith.constant 0 : i32
      %dma_start3A_73 = tpu.memref_slice %arg3[%arg0, %arg1, %run_scoped3A, %dma_start3A_70, %dma_start3A_71, %dma_start3A_72] : memref<2x16x5x2x16x128xi32, #tpu.memory_space<hbm>> -> memref<1x1x1x2x16x128xi32, #tpu.memory_space<hbm>>
      %dma_start3A_74 = tpu.memref_squeeze %dma_start3A_73 : memref<1x1x1x2x16x128xi32, #tpu.memory_space<hbm>> -> memref<2x16x128xi32, #tpu.memory_space<hbm>>
      %dma_start3A_75 = arith.constant 0 : i32
      %dma_start3A_76 = arith.constant 0 : i32
      %dma_start3A_77 = arith.constant 0 : i32
      %dma_start3A_78 = tpu.memref_slice %arg6[%run_scoped3A_1, %dma_start3A_75, %dma_start3A_76, %dma_start3A_77] : memref<2x2x16x128xi32, #tpu.memory_space<vmem>> -> memref<1x2x16x128xi32, #tpu.memory_space<vmem>>
      %dma_start3A_79 = tpu.memref_squeeze %dma_start3A_78 : memref<1x2x16x128xi32, #tpu.memory_space<vmem>> -> memref<2x16x128xi32, #tpu.memory_space<vmem>>
      %dma_start3A_80 = arith.constant 0 : i32
      %dma_start3A_81 = arith.constant 0 : i32
      %dma_start3A_82 = arith.constant 0 : i32
      %dma_start3A_83 = tpu.memref_slice %arg3[%arg0, %arg1, %run_scoped3A, %dma_start3A_80, %dma_start3A_81, %dma_start3A_82] : memref<2x16x5x2x16x128xi32, #tpu.memory_space<hbm>> -> memref<1x1x1x2x16x128xi32, #tpu.memory_space<hbm>>
      %dma_start3A_84 = tpu.memref_squeeze %dma_start3A_83 : memref<1x1x1x2x16x128xi32, #tpu.memory_space<hbm>> -> memref<2x16x128xi32, #tpu.memory_space<hbm>>
      tpu.enqueue_dma source(%dma_start3A_84 : memref<2x16x128xi32, #tpu.memory_space<hbm>>) target(%dma_start3A_79 : memref<2x16x128xi32, #tpu.memory_space<vmem>>) target_semaphore(%run_scoped3A_64 : memref<!tpu.dma_semaphore, #tpu.memory_space<semaphore_mem>>)
      %dma_wait3A_85 = arith.constant 0 : i32
      %dma_wait3A_86 = arith.constant 0 : i32
      %dma_wait3A_87 = arith.constant 0 : i32
      %dma_wait3A_88 = tpu.memref_slice %arg6[%run_scoped3A_1, %dma_wait3A_85, %dma_wait3A_86, %dma_wait3A_87] : memref<2x2x16x128xi32, #tpu.memory_space<vmem>> -> memref<1x2x16x128xi32, #tpu.memory_space<vmem>>
      %dma_wait3A_89 = tpu.memref_squeeze %dma_wait3A_88 : memref<1x2x16x128xi32, #tpu.memory_space<vmem>> -> memref<2x16x128xi32, #tpu.memory_space<vmem>>
      %dma_wait3A_90 = arith.constant 0 : i32
      %dma_wait3A_91 = arith.constant 0 : i32
      %dma_wait3A_92 = arith.constant 0 : i32
      %dma_wait3A_93 = tpu.memref_slice %arg3[%arg0, %arg1, %run_scoped3A, %dma_wait3A_90, %dma_wait3A_91, %dma_wait3A_92] : memref<2x16x5x2x16x128xi32, #tpu.memory_space<hbm>> -> memref<1x1x1x2x16x128xi32, #tpu.memory_space<hbm>>
      %dma_wait3A_94 = tpu.memref_squeeze %dma_wait3A_93 : memref<1x1x1x2x16x128xi32, #tpu.memory_space<hbm>> -> memref<2x16x128xi32, #tpu.memory_space<hbm>>
      %dma_wait3A_95 = arith.constant 0 : i32
      %dma_wait3A_96 = arith.constant 0 : i32
      %dma_wait3A_97 = arith.constant 0 : i32
      %dma_wait3A_98 = tpu.memref_slice %arg6[%run_scoped3A_1, %dma_wait3A_95, %dma_wait3A_96, %dma_wait3A_97] : memref<2x2x16x128xi32, #tpu.memory_space<vmem>> -> memref<1x2x16x128xi32, #tpu.memory_space<vmem>>
      %dma_wait3A_99 = tpu.memref_squeeze %dma_wait3A_98 : memref<1x2x16x128xi32, #tpu.memory_space<vmem>> -> memref<2x16x128xi32, #tpu.memory_space<vmem>>
      %dma_wait3A_100 = arith.constant 0 : i32
      %dma_wait3A_101 = arith.constant 0 : i32
      %dma_wait3A_102 = arith.constant 0 : i32
      %dma_wait3A_103 = tpu.memref_slice %arg3[%arg0, %arg1, %run_scoped3A, %dma_wait3A_100, %dma_wait3A_101, %dma_wait3A_102] : memref<2x16x5x2x16x128xi32, #tpu.memory_space<hbm>> -> memref<1x1x1x2x16x128xi32, #tpu.memory_space<hbm>>
      %dma_wait3A_104 = tpu.memref_squeeze %dma_wait3A_103 : memref<1x1x1x2x16x128xi32, #tpu.memory_space<hbm>> -> memref<2x16x128xi32, #tpu.memory_space<hbm>>
      tpu.wait_dma2 semaphore(%run_scoped3A_64 : memref<!tpu.dma_semaphore, #tpu.memory_space<semaphore_mem>>) src(%dma_wait3A_104 : memref<2x16x128xi32, #tpu.memory_space<hbm>>) dst(%dma_wait3A_99 : memref<2x16x128xi32, #tpu.memory_space<vmem>>)
      tpu.yield
    }) : () -> ()
    %barrier3A = arith.constant 0 : index
    tpu.barrier barrier_id(%barrier3A)
    %dma_start3A = arith.constant 1 : i32
    %dma_start3A_2 = arith.constant 1 : i32
    %dma_start3A_3 = arith.constant 1 : i32
    %dma_start3A_4 = arith.constant 0 : i32
    %dma_start3A_5 = arith.constant 0 : i32
    %dma_start3A_6 = arith.constant 0 : i32
    %dma_start3A_7 = tpu.memref_slice %arg6[%dma_start3A_2, %dma_start3A_4, %dma_start3A_5, %dma_start3A_6] : memref<2x2x16x128xi32, #tpu.memory_space<vmem>> -> memref<1x2x16x128xi32, #tpu.memory_space<vmem>>
    %dma_start3A_8 = tpu.memref_squeeze %dma_start3A_7 : memref<1x2x16x128xi32, #tpu.memory_space<vmem>> -> memref<2x16x128xi32, #tpu.memory_space<vmem>>
    %dma_start3A_9 = arith.constant 0 : i32
    %dma_start3A_10 = arith.constant 0 : i32
    %dma_start3A_11 = arith.constant 0 : i32
    %dma_start3A_12 = tpu.memref_slice %arg3[%arg0, %arg1, %dma_start3A, %dma_start3A_9, %dma_start3A_10, %dma_start3A_11] : memref<2x16x5x2x16x128xi32, #tpu.memory_space<hbm>> -> memref<1x1x1x2x16x128xi32, #tpu.memory_space<hbm>>
    %dma_start3A_13 = tpu.memref_squeeze %dma_start3A_12 : memref<1x1x1x2x16x128xi32, #tpu.memory_space<hbm>> -> memref<2x16x128xi32, #tpu.memory_space<hbm>>
    %dma_start3A_14 = tpu.memref_slice %arg9[%dma_start3A_3] : memref<2x!tpu.dma_semaphore, #tpu.memory_space<semaphore_mem>> -> memref<1x!tpu.dma_semaphore, #tpu.memory_space<semaphore_mem>>
    %dma_start3A_15 = tpu.memref_squeeze %dma_start3A_14 : memref<1x!tpu.dma_semaphore, #tpu.memory_space<semaphore_mem>> -> memref<!tpu.dma_semaphore, #tpu.memory_space<semaphore_mem>>
    %dma_start3A_16 = arith.constant 0 : i32
    %dma_start3A_17 = arith.constant 0 : i32
    %dma_start3A_18 = arith.constant 0 : i32
    %dma_start3A_19 = tpu.memref_slice %arg6[%dma_start3A_2, %dma_start3A_16, %dma_start3A_17, %dma_start3A_18] : memref<2x2x16x128xi32, #tpu.memory_space<vmem>> -> memref<1x2x16x128xi32, #tpu.memory_space<vmem>>
    %dma_start3A_20 = tpu.memref_squeeze %dma_start3A_19 : memref<1x2x16x128xi32, #tpu.memory_space<vmem>> -> memref<2x16x128xi32, #tpu.memory_space<vmem>>
    %dma_start3A_21 = arith.constant 0 : i32
    %dma_start3A_22 = arith.constant 0 : i32
    %dma_start3A_23 = arith.constant 0 : i32
    %dma_start3A_24 = tpu.memref_slice %arg3[%arg0, %arg1, %dma_start3A, %dma_start3A_21, %dma_start3A_22, %dma_start3A_23] : memref<2x16x5x2x16x128xi32, #tpu.memory_space<hbm>> -> memref<1x1x1x2x16x128xi32, #tpu.memory_space<hbm>>
    %dma_start3A_25 = tpu.memref_squeeze %dma_start3A_24 : memref<1x1x1x2x16x128xi32, #tpu.memory_space<hbm>> -> memref<2x16x128xi32, #tpu.memory_space<hbm>>
    tpu.enqueue_dma source(%dma_start3A_25 : memref<2x16x128xi32, #tpu.memory_space<hbm>>) target(%dma_start3A_20 : memref<2x16x128xi32, #tpu.memory_space<vmem>>) target_semaphore(%dma_start3A_15 : memref<!tpu.dma_semaphore, #tpu.memory_space<semaphore_mem>>)
    %scan3A = arith.constant 0 : i32
    %scan3A_26 = arith.constant 80 : i32
    %scan3A_27 = arith.addi %scan3A, %scan3A_26 : i32
    %scan3A_28 = arith.constant 1 : i32
    scf.for %scan3A_64 = %scan3A to %scan3A_27 step %scan3A_28  : i32 {
      %mul3A_65 = arith.constant 1 : i32
      %mul3A_66 = arith.muli %scan3A_64, %mul3A_65 : i32
      %add3A = arith.constant 0 : i32
      %add3A_67 = arith.addi %add3A, %mul3A_66 : i32
      %and3A = arith.constant 1 : i32
      %and3A_68 = arith.andi %add3A_67, %and3A : i32
      %shift_right_arithmetic3A = arith.constant 4 : i32
      %shift_right_arithmetic3A_69 = arith.shrsi %add3A_67, %shift_right_arithmetic3A : i32
      %and3A_70 = arith.constant 15 : i32
      %and3A_71 = arith.andi %add3A_67, %and3A_70 : i32
      %and3A_72 = arith.constant 1 : i32
      %and3A_73 = arith.andi %shift_right_arithmetic3A_69, %and3A_72 : i32
      %eq3A = arith.constant 0 : i32
      %eq3A_74 = arith.cmpi eq, %and3A_71, %eq3A : i32
      %gt3A = arith.constant 0 : i32
      %gt3A_75 = arith.cmpi sgt, %add3A_67, %gt3A : i32
      %and3A_76 = arith.andi %eq3A_74, %gt3A_75 : i1
      %convert_element_type3A = arith.extui %and3A_76 : i1 to i32
      %cond3A = arith.constant 0 : i32
      %cond3A_77 = arith.cmpi ne, %convert_element_type3A, %cond3A : i32
      scf.if %cond3A_77 {
        %dma_wait3A_126 = arith.constant 0 : i32
        %dma_wait3A_127 = arith.constant 0 : i32
        %dma_wait3A_128 = arith.constant 0 : i32
        %dma_wait3A_129 = tpu.memref_slice %arg6[%and3A_73, %dma_wait3A_126, %dma_wait3A_127, %dma_wait3A_128] : memref<2x2x16x128xi32, #tpu.memory_space<vmem>> -> memref<1x2x16x128xi32, #tpu.memory_space<vmem>>
        %dma_wait3A_130 = tpu.memref_squeeze %dma_wait3A_129 : memref<1x2x16x128xi32, #tpu.memory_space<vmem>> -> memref<2x16x128xi32, #tpu.memory_space<vmem>>
        %dma_wait3A_131 = arith.constant 0 : i32
        %dma_wait3A_132 = arith.constant 0 : i32
        %dma_wait3A_133 = arith.constant 0 : i32
        %dma_wait3A_134 = tpu.memref_slice %arg3[%arg0, %arg1, %shift_right_arithmetic3A_69, %dma_wait3A_131, %dma_wait3A_132, %dma_wait3A_133] : memref<2x16x5x2x16x128xi32, #tpu.memory_space<hbm>> -> memref<1x1x1x2x16x128xi32, #tpu.memory_space<hbm>>
        %dma_wait3A_135 = tpu.memref_squeeze %dma_wait3A_134 : memref<1x1x1x2x16x128xi32, #tpu.memory_space<hbm>> -> memref<2x16x128xi32, #tpu.memory_space<hbm>>
        %dma_wait3A_136 = tpu.memref_slice %arg9[%and3A_73] : memref<2x!tpu.dma_semaphore, #tpu.memory_space<semaphore_mem>> -> memref<1x!tpu.dma_semaphore, #tpu.memory_space<semaphore_mem>>
        %dma_wait3A_137 = tpu.memref_squeeze %dma_wait3A_136 : memref<1x!tpu.dma_semaphore, #tpu.memory_space<semaphore_mem>> -> memref<!tpu.dma_semaphore, #tpu.memory_space<semaphore_mem>>
        %dma_wait3A_138 = arith.constant 0 : i32
        %dma_wait3A_139 = arith.constant 0 : i32
        %dma_wait3A_140 = arith.constant 0 : i32
        %dma_wait3A_141 = tpu.memref_slice %arg6[%and3A_73, %dma_wait3A_138, %dma_wait3A_139, %dma_wait3A_140] : memref<2x2x16x128xi32, #tpu.memory_space<vmem>> -> memref<1x2x16x128xi32, #tpu.memory_space<vmem>>
        %dma_wait3A_142 = tpu.memref_squeeze %dma_wait3A_141 : memref<1x2x16x128xi32, #tpu.memory_space<vmem>> -> memref<2x16x128xi32, #tpu.memory_space<vmem>>
        %dma_wait3A_143 = arith.constant 0 : i32
        %dma_wait3A_144 = arith.constant 0 : i32
        %dma_wait3A_145 = arith.constant 0 : i32
        %dma_wait3A_146 = tpu.memref_slice %arg3[%arg0, %arg1, %shift_right_arithmetic3A_69, %dma_wait3A_143, %dma_wait3A_144, %dma_wait3A_145] : memref<2x16x5x2x16x128xi32, #tpu.memory_space<hbm>> -> memref<1x1x1x2x16x128xi32, #tpu.memory_space<hbm>>
        %dma_wait3A_147 = tpu.memref_squeeze %dma_wait3A_146 : memref<1x1x1x2x16x128xi32, #tpu.memory_space<hbm>> -> memref<2x16x128xi32, #tpu.memory_space<hbm>>
        tpu.wait_dma2 semaphore(%dma_wait3A_137 : memref<!tpu.dma_semaphore, #tpu.memory_space<semaphore_mem>>) src(%dma_wait3A_147 : memref<2x16x128xi32, #tpu.memory_space<hbm>>) dst(%dma_wait3A_142 : memref<2x16x128xi32, #tpu.memory_space<vmem>>)
      } else {
      }
      %ge3A = arith.constant 2 : i32
      %ge3A_78 = arith.cmpi sge, %add3A_67, %ge3A : i32
      %convert_element_type3A_79 = arith.extui %ge3A_78 : i1 to i32
      %cond3A_80 = arith.constant 0 : i32
      %cond3A_81 = arith.cmpi ne, %convert_element_type3A_79, %cond3A_80 : i32
      scf.if %cond3A_81 {
        %dma_wait3A_126 = arith.constant 0 : i32
        %dma_wait3A_127 = arith.constant 1 : i32
        %dma_wait3A_128 = arith.constant 0 : i32
        %dma_wait3A_129 = arith.constant 0 : i32
        %dma_wait3A_130 = arith.constant 0 : i32
        %dma_wait3A_131 = tpu.memref_slice %arg7[%and3A_68, %dma_wait3A_129, %dma_wait3A_130] : memref<2x128x128xf32, #tpu.memory_space<vmem>> -> memref<1x128x128xf32, #tpu.memory_space<vmem>>
        %dma_wait3A_132 = tpu.memref_squeeze %dma_wait3A_131 : memref<1x128x128xf32, #tpu.memory_space<vmem>> -> memref<128x128xf32, #tpu.memory_space<vmem>>
        %dma_wait3A_133 = arith.constant 0 : i32
        %dma_wait3A_134 = tpu.memref_slice %arg6[%dma_wait3A_126, %dma_wait3A_127, %dma_wait3A_128, %dma_wait3A_133] : memref<2x2x16x128xi32, #tpu.memory_space<vmem>> -> memref<1x1x1x128xi32, #tpu.memory_space<vmem>>
        %dma_wait3A_135 = tpu.memref_squeeze %dma_wait3A_134 : memref<1x1x1x128xi32, #tpu.memory_space<vmem>> -> memref<128xi32, #tpu.memory_space<vmem>>
        %dma_wait3A_136 = arith.constant 0 : i32
        %dma_wait3A_137 = arith.constant 0 : i32
        %dma_wait3A_138 = tpu.memref_slice %arg8[%dma_wait3A_136, %dma_wait3A_137] : memref<10240x128xf32, #tpu.memory_space<vmem_shared>> -> memref<10240x128xf32, #tpu.memory_space<vmem_shared>>
        %dma_wait3A_139 = tpu.memref_slice %arg11[%and3A_68] : memref<2x!tpu.dma_semaphore, #tpu.memory_space<semaphore_mem>> -> memref<1x!tpu.dma_semaphore, #tpu.memory_space<semaphore_mem>>
        %dma_wait3A_140 = tpu.memref_squeeze %dma_wait3A_139 : memref<1x!tpu.dma_semaphore, #tpu.memory_space<semaphore_mem>> -> memref<!tpu.dma_semaphore, #tpu.memory_space<semaphore_mem>>
        tpu.wait_indirect_dma semaphore(%dma_wait3A_140 : memref<!tpu.dma_semaphore, #tpu.memory_space<semaphore_mem>>) src(%dma_wait3A_132 : memref<128x128xf32, #tpu.memory_space<vmem>>) dst(%dma_wait3A_138 : memref<10240x128xf32, #tpu.memory_space<vmem_shared>>)
      } else {
      }
      %eq3A_82 = arith.constant 1 : i32
      %eq3A_83 = arith.cmpi eq, %and3A_71, %eq3A_82 : i32
      %add3A_84 = arith.constant 1 : i32
      %add3A_85 = arith.addi %shift_right_arithmetic3A_69, %add3A_84 : i32
      %lt3A = arith.constant 5 : i32
      %lt3A_86 = arith.cmpi slt, %add3A_85, %lt3A : i32
      %and3A_87 = arith.andi %eq3A_83, %lt3A_86 : i1
      %convert_element_type3A_88 = arith.extui %and3A_87 : i1 to i32
      %cond3A_89 = arith.constant 0 : i32
      %cond3A_90 = arith.cmpi ne, %convert_element_type3A_88, %cond3A_89 : i32
      scf.if %cond3A_90 {
        %add3A_126 = arith.constant 1 : i32
        %add3A_127 = arith.addi %shift_right_arithmetic3A_69, %add3A_126 : i32
        %and3A_128 = arith.constant 1 : i32
        %and3A_129 = arith.andi %add3A_127, %and3A_128 : i32
        %add3A_130 = arith.constant 1 : i32
        %add3A_131 = arith.addi %shift_right_arithmetic3A_69, %add3A_130 : i32
        %dma_start3A_132 = arith.constant 0 : i32
        %dma_start3A_133 = arith.constant 0 : i32
        %dma_start3A_134 = arith.constant 0 : i32
        %dma_start3A_135 = tpu.memref_slice %arg6[%and3A_129, %dma_start3A_132, %dma_start3A_133, %dma_start3A_134] : memref<2x2x16x128xi32, #tpu.memory_space<vmem>> -> memref<1x2x16x128xi32, #tpu.memory_space<vmem>>
        %dma_start3A_136 = tpu.memref_squeeze %dma_start3A_135 : memref<1x2x16x128xi32, #tpu.memory_space<vmem>> -> memref<2x16x128xi32, #tpu.memory_space<vmem>>
        %dma_start3A_137 = arith.constant 0 : i32
        %dma_start3A_138 = arith.constant 0 : i32
        %dma_start3A_139 = arith.constant 0 : i32
        %dma_start3A_140 = tpu.memref_slice %arg3[%arg0, %arg1, %add3A_131, %dma_start3A_137, %dma_start3A_138, %dma_start3A_139] : memref<2x16x5x2x16x128xi32, #tpu.memory_space<hbm>> -> memref<1x1x1x2x16x128xi32, #tpu.memory_space<hbm>>
        %dma_start3A_141 = tpu.memref_squeeze %dma_start3A_140 : memref<1x1x1x2x16x128xi32, #tpu.memory_space<hbm>> -> memref<2x16x128xi32, #tpu.memory_space<hbm>>
        %dma_start3A_142 = tpu.memref_slice %arg9[%and3A_129] : memref<2x!tpu.dma_semaphore, #tpu.memory_space<semaphore_mem>> -> memref<1x!tpu.dma_semaphore, #tpu.memory_space<semaphore_mem>>
        %dma_start3A_143 = tpu.memref_squeeze %dma_start3A_142 : memref<1x!tpu.dma_semaphore, #tpu.memory_space<semaphore_mem>> -> memref<!tpu.dma_semaphore, #tpu.memory_space<semaphore_mem>>
        %dma_start3A_144 = arith.constant 0 : i32
        %dma_start3A_145 = arith.constant 0 : i32
        %dma_start3A_146 = arith.constant 0 : i32
        %dma_start3A_147 = tpu.memref_slice %arg6[%and3A_129, %dma_start3A_144, %dma_start3A_145, %dma_start3A_146] : memref<2x2x16x128xi32, #tpu.memory_space<vmem>> -> memref<1x2x16x128xi32, #tpu.memory_space<vmem>>
        %dma_start3A_148 = tpu.memref_squeeze %dma_start3A_147 : memref<1x2x16x128xi32, #tpu.memory_space<vmem>> -> memref<2x16x128xi32, #tpu.memory_space<vmem>>
        %dma_start3A_149 = arith.constant 0 : i32
        %dma_start3A_150 = arith.constant 0 : i32
        %dma_start3A_151 = arith.constant 0 : i32
        %dma_start3A_152 = tpu.memref_slice %arg3[%arg0, %arg1, %add3A_131, %dma_start3A_149, %dma_start3A_150, %dma_start3A_151] : memref<2x16x5x2x16x128xi32, #tpu.memory_space<hbm>> -> memref<1x1x1x2x16x128xi32, #tpu.memory_space<hbm>>
        %dma_start3A_153 = tpu.memref_squeeze %dma_start3A_152 : memref<1x1x1x2x16x128xi32, #tpu.memory_space<hbm>> -> memref<2x16x128xi32, #tpu.memory_space<hbm>>
        tpu.enqueue_dma source(%dma_start3A_153 : memref<2x16x128xi32, #tpu.memory_space<hbm>>) target(%dma_start3A_148 : memref<2x16x128xi32, #tpu.memory_space<vmem>>) target_semaphore(%dma_start3A_143 : memref<!tpu.dma_semaphore, #tpu.memory_space<semaphore_mem>>)
      } else {
      }
      %dma_start3A_91 = arith.constant 0 : i32
      %dma_start3A_92 = arith.constant 0 : i32
      %dma_start3A_93 = arith.constant 0 : i32
      %dma_start3A_94 = tpu.memref_slice %arg7[%and3A_68, %dma_start3A_92, %dma_start3A_93] : memref<2x128x128xf32, #tpu.memory_space<vmem>> -> memref<1x128x128xf32, #tpu.memory_space<vmem>>
      %dma_start3A_95 = tpu.memref_squeeze %dma_start3A_94 : memref<1x128x128xf32, #tpu.memory_space<vmem>> -> memref<128x128xf32, #tpu.memory_space<vmem>>
      %dma_start3A_96 = arith.constant 0 : i32
      %dma_start3A_97 = tpu.memref_slice %arg6[%and3A_73, %dma_start3A_91, %and3A_71, %dma_start3A_96] : memref<2x2x16x128xi32, #tpu.memory_space<vmem>> -> memref<1x1x1x128xi32, #tpu.memory_space<vmem>>
      %dma_start3A_98 = tpu.memref_squeeze %dma_start3A_97 : memref<1x1x1x128xi32, #tpu.memory_space<vmem>> -> memref<128xi32, #tpu.memory_space<vmem>>
      %dma_start3A_99 = arith.constant 0 : i32
      %dma_start3A_100 = arith.constant 0 : i32
      %dma_start3A_101 = tpu.memref_slice %arg2[%dma_start3A_99, %dma_start3A_100] : memref<20480x128xf32, #tpu.memory_space<hbm>> -> memref<20480x128xf32, #tpu.memory_space<hbm>>
      tpu.enqueue_indirect_dma source(%dma_start3A_101 : memref<20480x128xf32, #tpu.memory_space<hbm>>) target(%dma_start3A_95 : memref<128x128xf32, #tpu.memory_space<vmem>>) offsets(%dma_start3A_98 : memref<128xi32, #tpu.memory_space<vmem>>) semaphore(%arg10 : memref<!tpu.dma_semaphore, #tpu.memory_space<semaphore_mem>>)
      %dma_wait3A_102 = arith.constant 0 : i32
      %dma_wait3A_103 = arith.constant 0 : i32
      %dma_wait3A_104 = arith.constant 0 : i32
      %dma_wait3A_105 = tpu.memref_slice %arg7[%and3A_68, %dma_wait3A_103, %dma_wait3A_104] : memref<2x128x128xf32, #tpu.memory_space<vmem>> -> memref<1x128x128xf32, #tpu.memory_space<vmem>>
      %dma_wait3A_106 = tpu.memref_squeeze %dma_wait3A_105 : memref<1x128x128xf32, #tpu.memory_space<vmem>> -> memref<128x128xf32, #tpu.memory_space<vmem>>
      %dma_wait3A_107 = arith.constant 0 : i32
      %dma_wait3A_108 = tpu.memref_slice %arg6[%and3A_73, %dma_wait3A_102, %and3A_71, %dma_wait3A_107] : memref<2x2x16x128xi32, #tpu.memory_space<vmem>> -> memref<1x1x1x128xi32, #tpu.memory_space<vmem>>
      %dma_wait3A_109 = tpu.memref_squeeze %dma_wait3A_108 : memref<1x1x1x128xi32, #tpu.memory_space<vmem>> -> memref<128xi32, #tpu.memory_space<vmem>>
      %dma_wait3A_110 = arith.constant 0 : i32
      %dma_wait3A_111 = arith.constant 0 : i32
      %dma_wait3A_112 = tpu.memref_slice %arg2[%dma_wait3A_110, %dma_wait3A_111] : memref<20480x128xf32, #tpu.memory_space<hbm>> -> memref<20480x128xf32, #tpu.memory_space<hbm>>
      tpu.wait_indirect_dma semaphore(%arg10 : memref<!tpu.dma_semaphore, #tpu.memory_space<semaphore_mem>>) src(%dma_wait3A_112 : memref<20480x128xf32, #tpu.memory_space<hbm>>) dst(%dma_wait3A_106 : memref<128x128xf32, #tpu.memory_space<vmem>>)
      %dma_start3A_113 = arith.constant 1 : i32
      %dma_start3A_114 = arith.constant 0 : i32
      %dma_start3A_115 = arith.constant 0 : i32
      %dma_start3A_116 = tpu.memref_slice %arg7[%and3A_68, %dma_start3A_114, %dma_start3A_115] : memref<2x128x128xf32, #tpu.memory_space<vmem>> -> memref<1x128x128xf32, #tpu.memory_space<vmem>>
      %dma_start3A_117 = tpu.memref_squeeze %dma_start3A_116 : memref<1x128x128xf32, #tpu.memory_space<vmem>> -> memref<128x128xf32, #tpu.memory_space<vmem>>
      %dma_start3A_118 = arith.constant 0 : i32
      %dma_start3A_119 = tpu.memref_slice %arg6[%and3A_73, %dma_start3A_113, %and3A_71, %dma_start3A_118] : memref<2x2x16x128xi32, #tpu.memory_space<vmem>> -> memref<1x1x1x128xi32, #tpu.memory_space<vmem>>
      %dma_start3A_120 = tpu.memref_squeeze %dma_start3A_119 : memref<1x1x1x128xi32, #tpu.memory_space<vmem>> -> memref<128xi32, #tpu.memory_space<vmem>>
      %dma_start3A_121 = arith.constant 0 : i32
      %dma_start3A_122 = arith.constant 0 : i32
      %dma_start3A_123 = tpu.memref_slice %arg8[%dma_start3A_121, %dma_start3A_122] : memref<10240x128xf32, #tpu.memory_space<vmem_shared>> -> memref<10240x128xf32, #tpu.memory_space<vmem_shared>>
      %dma_start3A_124 = tpu.memref_slice %arg11[%and3A_68] : memref<2x!tpu.dma_semaphore, #tpu.memory_space<semaphore_mem>> -> memref<1x!tpu.dma_semaphore, #tpu.memory_space<semaphore_mem>>
      %dma_start3A_125 = tpu.memref_squeeze %dma_start3A_124 : memref<1x!tpu.dma_semaphore, #tpu.memory_space<semaphore_mem>> -> memref<!tpu.dma_semaphore, #tpu.memory_space<semaphore_mem>>
      tpu.enqueue_indirect_dma source(%dma_start3A_117 : memref<128x128xf32, #tpu.memory_space<vmem>>) target(%dma_start3A_123 : memref<10240x128xf32, #tpu.memory_space<vmem_shared>>) offsets(%dma_start3A_120 : memref<128xi32, #tpu.memory_space<vmem>>) semaphore(%dma_start3A_125 : memref<!tpu.dma_semaphore, #tpu.memory_space<semaphore_mem>>) {add = true}
    }
    %scan3A_29 = arith.constant 80 : i32
    %dma_wait3A = arith.constant 0 : i32
    %dma_wait3A_30 = arith.constant 0 : i32
    %dma_wait3A_31 = arith.constant 1 : i32
    %dma_wait3A_32 = arith.constant 0 : i32
    %dma_wait3A_33 = arith.constant 0 : i32
    %dma_wait3A_34 = arith.constant 0 : i32
    %dma_wait3A_35 = arith.constant 0 : i32
    %dma_wait3A_36 = tpu.memref_slice %arg7[%dma_wait3A, %dma_wait3A_34, %dma_wait3A_35] : memref<2x128x128xf32, #tpu.memory_space<vmem>> -> memref<1x128x128xf32, #tpu.memory_space<vmem>>
    %dma_wait3A_37 = tpu.memref_squeeze %dma_wait3A_36 : memref<1x128x128xf32, #tpu.memory_space<vmem>> -> memref<128x128xf32, #tpu.memory_space<vmem>>
    %dma_wait3A_38 = arith.constant 0 : i32
    %dma_wait3A_39 = tpu.memref_slice %arg6[%dma_wait3A_30, %dma_wait3A_31, %dma_wait3A_32, %dma_wait3A_38] : memref<2x2x16x128xi32, #tpu.memory_space<vmem>> -> memref<1x1x1x128xi32, #tpu.memory_space<vmem>>
    %dma_wait3A_40 = tpu.memref_squeeze %dma_wait3A_39 : memref<1x1x1x128xi32, #tpu.memory_space<vmem>> -> memref<128xi32, #tpu.memory_space<vmem>>
    %dma_wait3A_41 = arith.constant 0 : i32
    %dma_wait3A_42 = arith.constant 0 : i32
    %dma_wait3A_43 = tpu.memref_slice %arg8[%dma_wait3A_41, %dma_wait3A_42] : memref<10240x128xf32, #tpu.memory_space<vmem_shared>> -> memref<10240x128xf32, #tpu.memory_space<vmem_shared>>
    %dma_wait3A_44 = tpu.memref_slice %arg11[%dma_wait3A_33] : memref<2x!tpu.dma_semaphore, #tpu.memory_space<semaphore_mem>> -> memref<1x!tpu.dma_semaphore, #tpu.memory_space<semaphore_mem>>
    %dma_wait3A_45 = tpu.memref_squeeze %dma_wait3A_44 : memref<1x!tpu.dma_semaphore, #tpu.memory_space<semaphore_mem>> -> memref<!tpu.dma_semaphore, #tpu.memory_space<semaphore_mem>>
    tpu.wait_indirect_dma semaphore(%dma_wait3A_45 : memref<!tpu.dma_semaphore, #tpu.memory_space<semaphore_mem>>) src(%dma_wait3A_37 : memref<128x128xf32, #tpu.memory_space<vmem>>) dst(%dma_wait3A_43 : memref<10240x128xf32, #tpu.memory_space<vmem_shared>>)
    %dma_wait3A_46 = arith.constant 1 : i32
    %dma_wait3A_47 = arith.constant 0 : i32
    %dma_wait3A_48 = arith.constant 1 : i32
    %dma_wait3A_49 = arith.constant 0 : i32
    %dma_wait3A_50 = arith.constant 1 : i32
    %dma_wait3A_51 = arith.constant 0 : i32
    %dma_wait3A_52 = arith.constant 0 : i32
    %dma_wait3A_53 = tpu.memref_slice %arg7[%dma_wait3A_46, %dma_wait3A_51, %dma_wait3A_52] : memref<2x128x128xf32, #tpu.memory_space<vmem>> -> memref<1x128x128xf32, #tpu.memory_space<vmem>>
    %dma_wait3A_54 = tpu.memref_squeeze %dma_wait3A_53 : memref<1x128x128xf32, #tpu.memory_space<vmem>> -> memref<128x128xf32, #tpu.memory_space<vmem>>
    %dma_wait3A_55 = arith.constant 0 : i32
    %dma_wait3A_56 = tpu.memref_slice %arg6[%dma_wait3A_47, %dma_wait3A_48, %dma_wait3A_49, %dma_wait3A_55] : memref<2x2x16x128xi32, #tpu.memory_space<vmem>> -> memref<1x1x1x128xi32, #tpu.memory_space<vmem>>
    %dma_wait3A_57 = tpu.memref_squeeze %dma_wait3A_56 : memref<1x1x1x128xi32, #tpu.memory_space<vmem>> -> memref<128xi32, #tpu.memory_space<vmem>>
    %dma_wait3A_58 = arith.constant 0 : i32
    %dma_wait3A_59 = arith.constant 0 : i32
    %dma_wait3A_60 = tpu.memref_slice %arg8[%dma_wait3A_58, %dma_wait3A_59] : memref<10240x128xf32, #tpu.memory_space<vmem_shared>> -> memref<10240x128xf32, #tpu.memory_space<vmem_shared>>
    %dma_wait3A_61 = tpu.memref_slice %arg11[%dma_wait3A_50] : memref<2x!tpu.dma_semaphore, #tpu.memory_space<semaphore_mem>> -> memref<1x!tpu.dma_semaphore, #tpu.memory_space<semaphore_mem>>
    %dma_wait3A_62 = tpu.memref_squeeze %dma_wait3A_61 : memref<1x!tpu.dma_semaphore, #tpu.memory_space<semaphore_mem>> -> memref<!tpu.dma_semaphore, #tpu.memory_space<semaphore_mem>>
    tpu.wait_indirect_dma semaphore(%dma_wait3A_62 : memref<!tpu.dma_semaphore, #tpu.memory_space<semaphore_mem>>) src(%dma_wait3A_54 : memref<128x128xf32, #tpu.memory_space<vmem>>) dst(%dma_wait3A_60 : memref<10240x128xf32, #tpu.memory_space<vmem_shared>>)
    %barrier3A_63 = arith.constant 0 : index
    tpu.barrier barrier_id(%barrier3A_63)
    "tpu.region"() ({
      %run_scoped3A_64 = tpu.sem_alloc : memref<!tpu.dma_semaphore, #tpu.memory_space<semaphore_mem>>
      %dma_start3A_65 = arith.constant 0 : i32
      %dma_start3A_66 = arith.constant 0 : i32
      %dma_start3A_67 = tpu.memref_slice %arg5[%arg0, %arg1, %dma_start3A_65, %dma_start3A_66] : memref<2x16x640x128xf32, #tpu.memory_space<hbm>> -> memref<1x1x640x128xf32, #tpu.memory_space<hbm>>
      %dma_start3A_68 = tpu.memref_squeeze %dma_start3A_67 : memref<1x1x640x128xf32, #tpu.memory_space<hbm>> -> memref<640x128xf32, #tpu.memory_space<hbm>>
      %dma_start3A_69 = arith.constant 0 : i32
      %dma_start3A_70 = tpu.memref_slice %arg8[%mul3A_0, %dma_start3A_69] : memref<10240x128xf32, #tpu.memory_space<vmem_shared>> -> memref<640x128xf32, #tpu.memory_space<vmem_shared>>
      tpu.enqueue_dma source(%dma_start3A_70 : memref<640x128xf32, #tpu.memory_space<vmem_shared>>) target(%dma_start3A_68 : memref<640x128xf32, #tpu.memory_space<hbm>>) target_semaphore(%run_scoped3A_64 : memref<!tpu.dma_semaphore, #tpu.memory_space<semaphore_mem>>)
      %dma_wait3A_71 = arith.constant 0 : i32
      %dma_wait3A_72 = arith.constant 0 : i32
      %dma_wait3A_73 = tpu.memref_slice %arg5[%arg0, %arg1, %dma_wait3A_71, %dma_wait3A_72] : memref<2x16x640x128xf32, #tpu.memory_space<hbm>> -> memref<1x1x640x128xf32, #tpu.memory_space<hbm>>
      %dma_wait3A_74 = tpu.memref_squeeze %dma_wait3A_73 : memref<1x1x640x128xf32, #tpu.memory_space<hbm>> -> memref<640x128xf32, #tpu.memory_space<hbm>>
      %dma_wait3A_75 = arith.constant 0 : i32
      %dma_wait3A_76 = tpu.memref_slice %arg8[%mul3A_0, %dma_wait3A_75] : memref<10240x128xf32, #tpu.memory_space<vmem_shared>> -> memref<640x128xf32, #tpu.memory_space<vmem_shared>>
      tpu.wait_dma2 semaphore(%run_scoped3A_64 : memref<!tpu.dma_semaphore, #tpu.memory_space<semaphore_mem>>) src(%dma_wait3A_76 : memref<640x128xf32, #tpu.memory_space<vmem_shared>>) dst(%dma_wait3A_74 : memref<640x128xf32, #tpu.memory_space<hbm>>)
      tpu.yield
    }) : () -> ()
    return
  }
}

module attributes {stable_mosaic.version = 14 : i64} {
  func.func @_prep0_body(%arg0: i32, %arg1: memref<400x128xf32, #tpu.memory_space<vmem>>, %arg2: memref<400x1xf32, #tpu.memory_space<vmem>>, %arg3: memref<400x1xf32, #tpu.memory_space<vmem>>, %arg4: memref<128x128xf32, #tpu.memory_space<vmem>>, %arg5: memref<128x128xf32, #tpu.memory_space<vmem>>, %arg6: memref<2x400x128xf32, #tpu.memory_space<vmem>>) attributes {dimension_semantics = [#tpu.dimension_semantics<arbitrary>], iteration_bounds = array<i64: 25>, scalar_prefetch = 0 : i64, scratch_operands = 0 : i64, tpu.core_type = #tpu.core_type<tc>, window_params = [{transform_indices = @transform_0, window_bounds = array<i64: 400, 128>}, {transform_indices = @transform_1, window_bounds = array<i64: 400, 1>}, {transform_indices = @transform_2, window_bounds = array<i64: 400, 1>}, {pipeline_mode = #tpu.pipeline_mode<synchronous>, transform_indices = @transform_3, window_bounds = array<i64: 128, 128>}, {pipeline_mode = #tpu.pipeline_mode<synchronous>, transform_indices = @transform_4, window_bounds = array<i64: 128, 128>}, {transform_indices = @transform_5, window_bounds = array<i64: 2, 400, 128>}]} {
    %get3A = arith.constant 0 : index
    %get3A_0 = arith.constant 0 : index
    %get3A_1 = vector.load %arg1[%get3A, %get3A_0] : memref<400x128xf32, #tpu.memory_space<vmem>>, vector<400x128xf32>
    %get3A_2 = arith.constant 0 : index
    %get3A_3 = arith.constant 0 : index
    %get3A_4 = vector.load %arg2[%get3A_2, %get3A_3] : memref<400x1xf32, #tpu.memory_space<vmem>>, vector<400x1xf32>
    %max3A = arith.constant 1.000000e+00 : f32
    %max3A_5 = vector.broadcast %max3A : f32 to vector<400x1xf32>
    %max3A_6 = arith.maximumf %get3A_4, %max3A_5 : vector<400x1xf32>
    %rsqrt3A = math.rsqrt %max3A_6 : vector<400x1xf32>
    %get3A_7 = arith.constant 0 : index
    %get3A_8 = arith.constant 0 : index
    %get3A_9 = vector.load %arg3[%get3A_7, %get3A_8] : memref<400x1xf32, #tpu.memory_space<vmem>>, vector<400x1xf32>
    %max3A_10 = arith.constant 1.000000e+00 : f32
    %max3A_11 = vector.broadcast %max3A_10 : f32 to vector<400x1xf32>
    %max3A_12 = arith.maximumf %get3A_9, %max3A_11 : vector<400x1xf32>
    %rsqrt3A_13 = math.rsqrt %max3A_12 : vector<400x1xf32>
    %mul3A = vector.broadcast %rsqrt3A : vector<400x1xf32> to vector<400x128xf32>
    %mul3A_14 = arith.mulf %get3A_1, %mul3A : vector<400x128xf32>
    %get3A_15 = arith.constant 0 : index
    %get3A_16 = arith.constant 0 : index
    %get3A_17 = vector.load %arg4[%get3A_15, %get3A_16] : memref<128x128xf32, #tpu.memory_space<vmem>>, vector<128x128xf32>
    %dot_general3A = arith.constant dense<0.000000e+00> : vector<400x128xf32>
    %dot_general3A_18 = tpu.matmul %mul3A_14, %get3A_17, %dot_general3A {dimension_numbers = #tpu.dot_dimension_numbers<[1], [0], [0], [1], [0, 0, 1, 1], [], []>, transpose_lhs_hint = false} : vector<400x128xf32>, vector<128x128xf32>, vector<400x128xf32> -> vector<400x128xf32>
    %swap3A = arith.constant 0 : index
    %swap3A_19 = arith.constant 0 : index
    %swap3A_20 = arith.constant 0 : index
    %swap3A_21 = vector.load %arg6[%swap3A, %swap3A_19, %swap3A_20] : memref<2x400x128xf32, #tpu.memory_space<vmem>>, vector<1x400x128xf32>
    %swap3A_22 = vector.shape_cast %swap3A_21 : vector<1x400x128xf32> to vector<400x128xf32>
    %swap3A_23 = vector.shape_cast %dot_general3A_18 : vector<400x128xf32> to vector<1x400x128xf32>
    tpu.vector_store %arg6[%swap3A, %swap3A_19, %swap3A_20], %swap3A_23 {strides = array<i32>} : memref<2x400x128xf32, #tpu.memory_space<vmem>>, vector<1x400x128xf32>,
    %mul3A_24 = vector.broadcast %rsqrt3A_13 : vector<400x1xf32> to vector<400x128xf32>
    %mul3A_25 = arith.mulf %get3A_1, %mul3A_24 : vector<400x128xf32>
    %get3A_26 = arith.constant 0 : index
    %get3A_27 = arith.constant 0 : index
    %get3A_28 = vector.load %arg5[%get3A_26, %get3A_27] : memref<128x128xf32, #tpu.memory_space<vmem>>, vector<128x128xf32>
    %dot_general3A_29 = arith.constant dense<0.000000e+00> : vector<400x128xf32>
    %dot_general3A_30 = tpu.matmul %mul3A_25, %get3A_28, %dot_general3A_29 {dimension_numbers = #tpu.dot_dimension_numbers<[1], [0], [0], [1], [0, 0, 1, 1], [], []>, transpose_lhs_hint = false} : vector<400x128xf32>, vector<128x128xf32>, vector<400x128xf32> -> vector<400x128xf32>
    %swap3A_31 = arith.constant 1 : index
    %swap3A_32 = arith.constant 0 : index
    %swap3A_33 = arith.constant 0 : index
    %swap3A_34 = vector.load %arg6[%swap3A_31, %swap3A_32, %swap3A_33] : memref<2x400x128xf32, #tpu.memory_space<vmem>>, vector<1x400x128xf32>
    %swap3A_35 = vector.shape_cast %swap3A_34 : vector<1x400x128xf32> to vector<400x128xf32>
    %swap3A_36 = vector.shape_cast %dot_general3A_30 : vector<400x128xf32> to vector<1x400x128xf32>
    tpu.vector_store %arg6[%swap3A_31, %swap3A_32, %swap3A_33], %swap3A_36 {strides = array<i32>} : memref<2x400x128xf32, #tpu.memory_space<vmem>>, vector<1x400x128xf32>,
    return
  }
  func.func @transform_0(%arg0: i32) -> (i32, i32) {
    %c0_i32 = arith.constant 0 : i32
    %c0_i32_0 = arith.constant 0 : i32
    return %arg0, %c0_i32 : i32, i32
  }
  func.func @transform_1(%arg0: i32) -> (i32, i32) {
    %c0_i32 = arith.constant 0 : i32
    %c0_i32_0 = arith.constant 0 : i32
    return %arg0, %c0_i32 : i32, i32
  }
  func.func @transform_2(%arg0: i32) -> (i32, i32) {
    %c0_i32 = arith.constant 0 : i32
    %c0_i32_0 = arith.constant 0 : i32
    return %arg0, %c0_i32 : i32, i32
  }
  func.func @transform_3(%arg0: i32) -> (i32, i32) {
    %c0_i32 = arith.constant 0 : i32
    %c0_i32_0 = arith.constant 0 : i32
    %c0_i32_1 = arith.constant 0 : i32
    return %c0_i32, %c0_i32_0 : i32, i32
  }
  func.func @transform_4(%arg0: i32) -> (i32, i32) {
    %c0_i32 = arith.constant 0 : i32
    %c0_i32_0 = arith.constant 0 : i32
    %c0_i32_1 = arith.constant 0 : i32
    return %c0_i32, %c0_i32_0 : i32, i32
  }
  func.func @transform_5(%arg0: i32) -> (i32, i32, i32) {
    %c0_i32 = arith.constant 0 : i32
    %c0_i32_0 = arith.constant 0 : i32
    %c0_i32_1 = arith.constant 0 : i32
    return %c0_i32, %arg0, %c0_i32_0 : i32, i32, i32
  }
}

module attributes {stable_mosaic.version = 14 : i64} {
  func.func @_mid_body(%arg0: i32, %arg1: memref<2x400x128xf32, #tpu.memory_space<vmem>>, %arg2: memref<400x1xf32, #tpu.memory_space<vmem>>, %arg3: memref<400x1xf32, #tpu.memory_space<vmem>>, %arg4: memref<400x1xf32, #tpu.memory_space<vmem>>, %arg5: memref<400x1xf32, #tpu.memory_space<vmem>>, %arg6: memref<1x128xf32, #tpu.memory_space<vmem>>, %arg7: memref<1x128xf32, #tpu.memory_space<vmem>>, %arg8: memref<128x128xf32, #tpu.memory_space<vmem>>, %arg9: memref<128x128xf32, #tpu.memory_space<vmem>>, %arg10: memref<2x400x128xf32, #tpu.memory_space<vmem>>) attributes {dimension_semantics = [#tpu.dimension_semantics<arbitrary>], iteration_bounds = array<i64: 25>, scalar_prefetch = 0 : i64, scratch_operands = 0 : i64, tpu.core_type = #tpu.core_type<tc>, window_params = [{transform_indices = @transform_0, window_bounds = array<i64: 2, 400, 128>}, {transform_indices = @transform_1, window_bounds = array<i64: 400, 1>}, {transform_indices = @transform_2, window_bounds = array<i64: 400, 1>}, {transform_indices = @transform_3, window_bounds = array<i64: 400, 1>}, {transform_indices = @transform_4, window_bounds = array<i64: 400, 1>}, {pipeline_mode = #tpu.pipeline_mode<synchronous>, transform_indices = @transform_5, window_bounds = array<i64: 1, 128>}, {pipeline_mode = #tpu.pipeline_mode<synchronous>, transform_indices = @transform_6, window_bounds = array<i64: 1, 128>}, {pipeline_mode = #tpu.pipeline_mode<synchronous>, transform_indices = @transform_7, window_bounds = array<i64: 128, 128>}, {pipeline_mode = #tpu.pipeline_mode<synchronous>, transform_indices = @transform_8, window_bounds = array<i64: 128, 128>}, {transform_indices = @transform_9, window_bounds = array<i64: 2, 400, 128>}]} {
    %get3A = arith.constant 0 : index
    %get3A_0 = arith.constant 0 : index
    %get3A_1 = vector.load %arg2[%get3A, %get3A_0] : memref<400x1xf32, #tpu.memory_space<vmem>>, vector<400x1xf32>
    %max3A = arith.constant 1.000000e+00 : f32
    %max3A_2 = vector.broadcast %max3A : f32 to vector<400x1xf32>
    %max3A_3 = arith.maximumf %get3A_1, %max3A_2 : vector<400x1xf32>
    %rsqrt3A = math.rsqrt %max3A_3 : vector<400x1xf32>
    %get3A_4 = arith.constant 0 : index
    %get3A_5 = arith.constant 0 : index
    %get3A_6 = vector.load %arg3[%get3A_4, %get3A_5] : memref<400x1xf32, #tpu.memory_space<vmem>>, vector<400x1xf32>
    %max3A_7 = arith.constant 1.000000e+00 : f32
    %max3A_8 = vector.broadcast %max3A_7 : f32 to vector<400x1xf32>
    %max3A_9 = arith.maximumf %get3A_6, %max3A_8 : vector<400x1xf32>
    %rsqrt3A_10 = math.rsqrt %max3A_9 : vector<400x1xf32>
    %get3A_11 = arith.constant 0 : index
    %get3A_12 = arith.constant 0 : index
    %get3A_13 = arith.constant 0 : index
    %get3A_14 = vector.load %arg1[%get3A_11, %get3A_12, %get3A_13] : memref<2x400x128xf32, #tpu.memory_space<vmem>>, vector<1x400x128xf32>
    %get3A_15 = vector.shape_cast %get3A_14 : vector<1x400x128xf32> to vector<400x128xf32>
    %mul3A = vector.broadcast %rsqrt3A : vector<400x1xf32> to vector<400x128xf32>
    %mul3A_16 = arith.mulf %get3A_15, %mul3A : vector<400x128xf32>
    %get3A_17 = arith.constant 0 : index
    %get3A_18 = arith.constant 0 : index
    %get3A_19 = vector.load %arg6[%get3A_17, %get3A_18] : memref<1x128xf32, #tpu.memory_space<vmem>>, vector<1x128xf32>
    %add3A = vector.broadcast %get3A_19 : vector<1x128xf32> to vector<400x128xf32>
    %add3A_20 = arith.addf %mul3A_16, %add3A : vector<400x128xf32>
    %get3A_21 = arith.constant 1 : index
    %get3A_22 = arith.constant 0 : index
    %get3A_23 = arith.constant 0 : index
    %get3A_24 = vector.load %arg1[%get3A_21, %get3A_22, %get3A_23] : memref<2x400x128xf32, #tpu.memory_space<vmem>>, vector<1x400x128xf32>
    %get3A_25 = vector.shape_cast %get3A_24 : vector<1x400x128xf32> to vector<400x128xf32>
    %mul3A_26 = vector.broadcast %rsqrt3A_10 : vector<400x1xf32> to vector<400x128xf32>
    %mul3A_27 = arith.mulf %get3A_25, %mul3A_26 : vector<400x128xf32>
    %add3A_28 = arith.addf %add3A_20, %mul3A_27 : vector<400x128xf32>
    %get3A_29 = arith.constant 0 : index
    %get3A_30 = arith.constant 0 : index
    %get3A_31 = vector.load %arg7[%get3A_29, %get3A_30] : memref<1x128xf32, #tpu.memory_space<vmem>>, vector<1x128xf32>
    %add3A_32 = vector.broadcast %get3A_31 : vector<1x128xf32> to vector<400x128xf32>
    %add3A_33 = arith.addf %add3A_28, %add3A_32 : vector<400x128xf32>
    %max3A_34 = arith.constant 0.000000e+00 : f32
    %max3A_35 = vector.broadcast %max3A_34 : f32 to vector<400x128xf32>
    %max3A_36 = arith.maximumf %add3A_33, %max3A_35 : vector<400x128xf32>
    %get3A_37 = arith.constant 0 : index
    %get3A_38 = arith.constant 0 : index
    %get3A_39 = vector.load %arg4[%get3A_37, %get3A_38] : memref<400x1xf32, #tpu.memory_space<vmem>>, vector<400x1xf32>
    %max3A_40 = arith.constant 1.000000e+00 : f32
    %max3A_41 = vector.broadcast %max3A_40 : f32 to vector<400x1xf32>
    %max3A_42 = arith.maximumf %get3A_39, %max3A_41 : vector<400x1xf32>
    %rsqrt3A_43 = math.rsqrt %max3A_42 : vector<400x1xf32>
    %get3A_44 = arith.constant 0 : index
    %get3A_45 = arith.constant 0 : index
    %get3A_46 = vector.load %arg5[%get3A_44, %get3A_45] : memref<400x1xf32, #tpu.memory_space<vmem>>, vector<400x1xf32>
    %max3A_47 = arith.constant 1.000000e+00 : f32
    %max3A_48 = vector.broadcast %max3A_47 : f32 to vector<400x1xf32>
    %max3A_49 = arith.maximumf %get3A_46, %max3A_48 : vector<400x1xf32>
    %rsqrt3A_50 = math.rsqrt %max3A_49 : vector<400x1xf32>
    %mul3A_51 = vector.broadcast %rsqrt3A_43 : vector<400x1xf32> to vector<400x128xf32>
    %mul3A_52 = arith.mulf %max3A_36, %mul3A_51 : vector<400x128xf32>
    %get3A_53 = arith.constant 0 : index
    %get3A_54 = arith.constant 0 : index
    %get3A_55 = vector.load %arg8[%get3A_53, %get3A_54] : memref<128x128xf32, #tpu.memory_space<vmem>>, vector<128x128xf32>
    %dot_general3A = arith.constant dense<0.000000e+00> : vector<400x128xf32>
    %dot_general3A_56 = tpu.matmul %mul3A_52, %get3A_55, %dot_general3A {dimension_numbers = #tpu.dot_dimension_numbers<[1], [0], [0], [1], [0, 0, 1, 1], [], []>, transpose_lhs_hint = false} : vector<400x128xf32>, vector<128x128xf32>, vector<400x128xf32> -> vector<400x128xf32>
    %swap3A = arith.constant 0 : index
    %swap3A_57 = arith.constant 0 : index
    %swap3A_58 = arith.constant 0 : index
    %swap3A_59 = vector.load %arg10[%swap3A, %swap3A_57, %swap3A_58] : memref<2x400x128xf32, #tpu.memory_space<vmem>>, vector<1x400x128xf32>
    %swap3A_60 = vector.shape_cast %swap3A_59 : vector<1x400x128xf32> to vector<400x128xf32>
    %swap3A_61 = vector.shape_cast %dot_general3A_56 : vector<400x128xf32> to vector<1x400x128xf32>
    tpu.vector_store %arg10[%swap3A, %swap3A_57, %swap3A_58], %swap3A_61 {strides = array<i32>} : memref<2x400x128xf32, #tpu.memory_space<vmem>>, vector<1x400x128xf32>,
    %mul3A_62 = vector.broadcast %rsqrt3A_50 : vector<400x1xf32> to vector<400x128xf32>
    %mul3A_63 = arith.mulf %max3A_36, %mul3A_62 : vector<400x128xf32>
    %get3A_64 = arith.constant 0 : index
    %get3A_65 = arith.constant 0 : index
    %get3A_66 = vector.load %arg9[%get3A_64, %get3A_65] : memref<128x128xf32, #tpu.memory_space<vmem>>, vector<128x128xf32>
    %dot_general3A_67 = arith.constant dense<0.000000e+00> : vector<400x128xf32>
    %dot_general3A_68 = tpu.matmul %mul3A_63, %get3A_66, %dot_general3A_67 {dimension_numbers = #tpu.dot_dimension_numbers<[1], [0], [0], [1], [0, 0, 1, 1], [], []>, transpose_lhs_hint = false} : vector<400x128xf32>, vector<128x128xf32>, vector<400x128xf32> -> vector<400x128xf32>
    %swap3A_69 = arith.constant 1 : index
    %swap3A_70 = arith.constant 0 : index
    %swap3A_71 = arith.constant 0 : index
    %swap3A_72 = vector.load %arg10[%swap3A_69, %swap3A_70, %swap3A_71] : memref<2x400x128xf32, #tpu.memory_space<vmem>>, vector<1x400x128xf32>
    %swap3A_73 = vector.shape_cast %swap3A_72 : vector<1x400x128xf32> to vector<400x128xf32>
    %swap3A_74 = vector.shape_cast %dot_general3A_68 : vector<400x128xf32> to vector<1x400x128xf32>
    tpu.vector_store %arg10[%swap3A_69, %swap3A_70, %swap3A_71], %swap3A_74 {strides = array<i32>} : memref<2x400x128xf32, #tpu.memory_space<vmem>>, vector<1x400x128xf32>,
    return
  }
  func.func @transform_0(%arg0: i32) -> (i32, i32, i32) {
    %c0_i32 = arith.constant 0 : i32
    %c0_i32_0 = arith.constant 0 : i32
    %c0_i32_1 = arith.constant 0 : i32
    return %c0_i32, %arg0, %c0_i32_0 : i32, i32, i32
  }
  func.func @transform_1(%arg0: i32) -> (i32, i32) {
    %c0_i32 = arith.constant 0 : i32
    %c0_i32_0 = arith.constant 0 : i32
    return %arg0, %c0_i32 : i32, i32
  }
  func.func @transform_2(%arg0: i32) -> (i32, i32) {
    %c0_i32 = arith.constant 0 : i32
    %c0_i32_0 = arith.constant 0 : i32
    return %arg0, %c0_i32 : i32, i32
  }
  func.func @transform_3(%arg0: i32) -> (i32, i32) {
    %c0_i32 = arith.constant 0 : i32
    %c0_i32_0 = arith.constant 0 : i32
    return %arg0, %c0_i32 : i32, i32
  }
  func.func @transform_4(%arg0: i32) -> (i32, i32) {
    %c0_i32 = arith.constant 0 : i32
    %c0_i32_0 = arith.constant 0 : i32
    return %arg0, %c0_i32 : i32, i32
  }
  func.func @transform_5(%arg0: i32) -> (i32, i32) {
    %c0_i32 = arith.constant 0 : i32
    %c0_i32_0 = arith.constant 0 : i32
    %c0_i32_1 = arith.constant 0 : i32
    return %c0_i32, %c0_i32_0 : i32, i32
  }
  func.func @transform_6(%arg0: i32) -> (i32, i32) {
    %c0_i32 = arith.constant 0 : i32
    %c0_i32_0 = arith.constant 0 : i32
    %c0_i32_1 = arith.constant 0 : i32
    return %c0_i32, %c0_i32_0 : i32, i32
  }
  func.func @transform_7(%arg0: i32) -> (i32, i32) {
    %c0_i32 = arith.constant 0 : i32
    %c0_i32_0 = arith.constant 0 : i32
    %c0_i32_1 = arith.constant 0 : i32
    return %c0_i32, %c0_i32_0 : i32, i32
  }
  func.func @transform_8(%arg0: i32) -> (i32, i32) {
    %c0_i32 = arith.constant 0 : i32
    %c0_i32_0 = arith.constant 0 : i32
    %c0_i32_1 = arith.constant 0 : i32
    return %c0_i32, %c0_i32_0 : i32, i32
  }
  func.func @transform_9(%arg0: i32) -> (i32, i32, i32) {
    %c0_i32 = arith.constant 0 : i32
    %c0_i32_0 = arith.constant 0 : i32
    %c0_i32_1 = arith.constant 0 : i32
    return %c0_i32, %arg0, %c0_i32_0 : i32, i32, i32
  }
}

module attributes {stable_mosaic.version = 14 : i64} {
  func.func @_final_body(%arg0: i32, %arg1: memref<2x400x128xf32, #tpu.memory_space<vmem>>, %arg2: memref<400x1xf32, #tpu.memory_space<vmem>>, %arg3: memref<400x1xf32, #tpu.memory_space<vmem>>, %arg4: memref<1x128xf32, #tpu.memory_space<vmem>>, %arg5: memref<1x128xf32, #tpu.memory_space<vmem>>, %arg6: memref<128x16xf32, #tpu.memory_space<vmem>>, %arg7: memref<1x16xf32, #tpu.memory_space<vmem>>, %arg8: memref<1x16xf32, #tpu.memory_space<vmem>>, %arg9: memref<1x128xf32, #tpu.memory_space<vmem>>) attributes {dimension_semantics = [#tpu.dimension_semantics<arbitrary>], iteration_bounds = array<i64: 25>, scalar_prefetch = 0 : i64, scratch_operands = 1 : i64, tpu.core_type = #tpu.core_type<tc>, window_params = [{transform_indices = @transform_0, window_bounds = array<i64: 2, 400, 128>}, {transform_indices = @transform_1, window_bounds = array<i64: 400, 1>}, {transform_indices = @transform_2, window_bounds = array<i64: 400, 1>}, {pipeline_mode = #tpu.pipeline_mode<synchronous>, transform_indices = @transform_3, window_bounds = array<i64: 1, 128>}, {pipeline_mode = #tpu.pipeline_mode<synchronous>, transform_indices = @transform_4, window_bounds = array<i64: 1, 128>}, {pipeline_mode = #tpu.pipeline_mode<synchronous>, transform_indices = @transform_5, window_bounds = array<i64: 128, 16>}, {pipeline_mode = #tpu.pipeline_mode<synchronous>, transform_indices = @transform_6, window_bounds = array<i64: 1, 16>}, {pipeline_mode = #tpu.pipeline_mode<synchronous>, transform_indices = @transform_7, window_bounds = array<i64: 1, 16>}]} {
    %get3A = arith.constant 0 : index
    %get3A_0 = arith.constant 0 : index
    %get3A_1 = vector.load %arg2[%get3A, %get3A_0] : memref<400x1xf32, #tpu.memory_space<vmem>>, vector<400x1xf32>
    %max3A = arith.constant 1.000000e+00 : f32
    %max3A_2 = vector.broadcast %max3A : f32 to vector<400x1xf32>
    %max3A_3 = arith.maximumf %get3A_1, %max3A_2 : vector<400x1xf32>
    %rsqrt3A = math.rsqrt %max3A_3 : vector<400x1xf32>
    %get3A_4 = arith.constant 0 : index
    %get3A_5 = arith.constant 0 : index
    %get3A_6 = vector.load %arg3[%get3A_4, %get3A_5] : memref<400x1xf32, #tpu.memory_space<vmem>>, vector<400x1xf32>
    %max3A_7 = arith.constant 1.000000e+00 : f32
    %max3A_8 = vector.broadcast %max3A_7 : f32 to vector<400x1xf32>
    %max3A_9 = arith.maximumf %get3A_6, %max3A_8 : vector<400x1xf32>
    %rsqrt3A_10 = math.rsqrt %max3A_9 : vector<400x1xf32>
    %get3A_11 = arith.constant 0 : index
    %get3A_12 = arith.constant 0 : index
    %get3A_13 = arith.constant 0 : index
    %get3A_14 = vector.load %arg1[%get3A_11, %get3A_12, %get3A_13] : memref<2x400x128xf32, #tpu.memory_space<vmem>>, vector<1x400x128xf32>
    %get3A_15 = vector.shape_cast %get3A_14 : vector<1x400x128xf32> to vector<400x128xf32>
    %mul3A = vector.broadcast %rsqrt3A : vector<400x1xf32> to vector<400x128xf32>
    %mul3A_16 = arith.mulf %get3A_15, %mul3A : vector<400x128xf32>
    %get3A_17 = arith.constant 0 : index
    %get3A_18 = arith.constant 0 : index
    %get3A_19 = vector.load %arg4[%get3A_17, %get3A_18] : memref<1x128xf32, #tpu.memory_space<vmem>>, vector<1x128xf32>
    %add3A = vector.broadcast %get3A_19 : vector<1x128xf32> to vector<400x128xf32>
    %add3A_20 = arith.addf %mul3A_16, %add3A : vector<400x128xf32>
    %get3A_21 = arith.constant 1 : index
    %get3A_22 = arith.constant 0 : index
    %get3A_23 = arith.constant 0 : index
    %get3A_24 = vector.load %arg1[%get3A_21, %get3A_22, %get3A_23] : memref<2x400x128xf32, #tpu.memory_space<vmem>>, vector<1x400x128xf32>
    %get3A_25 = vector.shape_cast %get3A_24 : vector<1x400x128xf32> to vector<400x128xf32>
    %mul3A_26 = vector.broadcast %rsqrt3A_10 : vector<400x1xf32> to vector<400x128xf32>
    %mul3A_27 = arith.mulf %get3A_25, %mul3A_26 : vector<400x128xf32>
    %add3A_28 = arith.addf %add3A_20, %mul3A_27 : vector<400x128xf32>
    %get3A_29 = arith.constant 0 : index
    %get3A_30 = arith.constant 0 : index
    %get3A_31 = vector.load %arg5[%get3A_29, %get3A_30] : memref<1x128xf32, #tpu.memory_space<vmem>>, vector<1x128xf32>
    %add3A_32 = vector.broadcast %get3A_31 : vector<1x128xf32> to vector<400x128xf32>
    %add3A_33 = arith.addf %add3A_28, %add3A_32 : vector<400x128xf32>
    %max3A_34 = arith.constant 0.000000e+00 : f32
    %max3A_35 = vector.broadcast %max3A_34 : f32 to vector<400x128xf32>
    %max3A_36 = arith.maximumf %add3A_33, %max3A_35 : vector<400x128xf32>
    %eq3A = arith.constant 0 : i32
    %eq3A_37 = arith.cmpi eq, %arg0, %eq3A : i32
    %convert_element_type3A = arith.extui %eq3A_37 : i1 to i32
    %cond3A = arith.constant 0 : i32
    %cond3A_38 = arith.cmpi ne, %convert_element_type3A, %cond3A : i32
    scf.if %cond3A_38 {
      %broadcast_in_dim3A_51 = arith.constant 0.000000e+00 : f32
      %broadcast_in_dim3A_52 = vector.broadcast %broadcast_in_dim3A_51 : f32 to vector<1x128xf32>
      %swap3A_53 = arith.constant 0 : index
      %swap3A_54 = arith.constant 0 : index
      %swap3A_55 = vector.load %arg9[%swap3A_53, %swap3A_54] : memref<1x128xf32, #tpu.memory_space<vmem>>, vector<1x128xf32>
      tpu.vector_store %arg9[%swap3A_53, %swap3A_54], %broadcast_in_dim3A_52 {strides = array<i32>} : memref<1x128xf32, #tpu.memory_space<vmem>>, vector<1x128xf32>,
    } else {
    }
    %get3A_39 = arith.constant 0 : index
    %get3A_40 = arith.constant 0 : index
    %get3A_41 = vector.load %arg9[%get3A_39, %get3A_40] : memref<1x128xf32, #tpu.memory_space<vmem>>, vector<1x128xf32>
    %reduce_sum3A = arith.constant dense<0.000000e+00> : vector<128xf32>
    %reduce_sum3A_42 = vector.multi_reduction <add>, %max3A_36, %reduce_sum3A [0] : vector<400x128xf32> to vector<128xf32>
    %broadcast_in_dim3A = vector.shape_cast %reduce_sum3A_42 : vector<128xf32> to vector<1x128xf32>
    %add3A_43 = arith.addf %get3A_41, %broadcast_in_dim3A : vector<1x128xf32>
    %swap3A = arith.constant 0 : index
    %swap3A_44 = arith.constant 0 : index
    %swap3A_45 = vector.load %arg9[%swap3A, %swap3A_44] : memref<1x128xf32, #tpu.memory_space<vmem>>, vector<1x128xf32>
    tpu.vector_store %arg9[%swap3A, %swap3A_44], %add3A_43 {strides = array<i32>} : memref<1x128xf32, #tpu.memory_space<vmem>>, vector<1x128xf32>,
    %eq3A_46 = arith.constant 24 : i32
    %eq3A_47 = arith.cmpi eq, %arg0, %eq3A_46 : i32
    %convert_element_type3A_48 = arith.extui %eq3A_47 : i1 to i32
    %cond3A_49 = arith.constant 0 : i32
    %cond3A_50 = arith.cmpi ne, %convert_element_type3A_48, %cond3A_49 : i32
    scf.if %cond3A_50 {
      %get3A_51 = arith.constant 0 : index
      %get3A_52 = arith.constant 0 : index
      %get3A_53 = vector.load %arg9[%get3A_51, %get3A_52] : memref<1x128xf32, #tpu.memory_space<vmem>>, vector<1x128xf32>
      %mul3A_54 = arith.constant 9.99999974E-5 : f32
      %mul3A_55 = vector.broadcast %mul3A_54 : f32 to vector<1x128xf32>
      %mul3A_56 = arith.mulf %get3A_53, %mul3A_55 : vector<1x128xf32>
      %get3A_57 = arith.constant 0 : index
      %get3A_58 = arith.constant 0 : index
      %get3A_59 = vector.load %arg6[%get3A_57, %get3A_58] : memref<128x16xf32, #tpu.memory_space<vmem>>, vector<128x16xf32>
      %dot_general3A = arith.constant dense<0.000000e+00> : vector<1x16xf32>
      %dot_general3A_60 = tpu.matmul %mul3A_56, %get3A_59, %dot_general3A {dimension_numbers = #tpu.dot_dimension_numbers<[1], [0], [0], [1], [0, 0, 1, 1], [], []>, transpose_lhs_hint = false} : vector<1x128xf32>, vector<128x16xf32>, vector<1x16xf32> -> vector<1x16xf32>
      %get3A_61 = arith.constant 0 : index
      %get3A_62 = arith.constant 0 : index
      %get3A_63 = vector.load %arg7[%get3A_61, %get3A_62] : memref<1x16xf32, #tpu.memory_space<vmem>>, vector<1x16xf32>
      %add3A_64 = arith.addf %dot_general3A_60, %get3A_63 : vector<1x16xf32>
      %swap3A_65 = arith.constant 0 : index
      %swap3A_66 = arith.constant 0 : index
      %swap3A_67 = vector.load %arg8[%swap3A_65, %swap3A_66] : memref<1x16xf32, #tpu.memory_space<vmem>>, vector<1x16xf32>
      tpu.vector_store %arg8[%swap3A_65, %swap3A_66], %add3A_64 {strides = array<i32>} : memref<1x16xf32, #tpu.memory_space<vmem>>, vector<1x16xf32>,
    } else {
    }
    return
  }
  func.func @transform_0(%arg0: i32) -> (i32, i32, i32) {
    %c0_i32 = arith.constant 0 : i32
    %c0_i32_0 = arith.constant 0 : i32
    %c0_i32_1 = arith.constant 0 : i32
    return %c0_i32, %arg0, %c0_i32_0 : i32, i32, i32
  }
  func.func @transform_1(%arg0: i32) -> (i32, i32) {
    %c0_i32 = arith.constant 0 : i32
    %c0_i32_0 = arith.constant 0 : i32
    return %arg0, %c0_i32 : i32, i32
  }
  func.func @transform_2(%arg0: i32) -> (i32, i32) {
    %c0_i32 = arith.constant 0 : i32
    %c0_i32_0 = arith.constant 0 : i32
    return %arg0, %c0_i32 : i32, i32
  }
  func.func @transform_3(%arg0: i32) -> (i32, i32) {
    %c0_i32 = arith.constant 0 : i32
    %c0_i32_0 = arith.constant 0 : i32
    %c0_i32_1 = arith.constant 0 : i32
    return %c0_i32, %c0_i32_0 : i32, i32
  }
  func.func @transform_4(%arg0: i32) -> (i32, i32) {
    %c0_i32 = arith.constant 0 : i32
    %c0_i32_0 = arith.constant 0 : i32
    %c0_i32_1 = arith.constant 0 : i32
    return %c0_i32, %c0_i32_0 : i32, i32
  }
  func.func @transform_5(%arg0: i32) -> (i32, i32) {
    %c0_i32 = arith.constant 0 : i32
    %c0_i32_0 = arith.constant 0 : i32
    %c0_i32_1 = arith.constant 0 : i32
    return %c0_i32, %c0_i32_0 : i32, i32
  }
  func.func @transform_6(%arg0: i32) -> (i32, i32) {
    %c0_i32 = arith.constant 0 : i32
    %c0_i32_0 = arith.constant 0 : i32
    %c0_i32_1 = arith.constant 0 : i32
    return %c0_i32, %c0_i32_0 : i32, i32
  }
  func.func @transform_7(%arg0: i32) -> (i32, i32) {
    %c0_i32 = arith.constant 0 : i32
    %c0_i32_0 = arith.constant 0 : i32
    %c0_i32_1 = arith.constant 0 : i32
    return %c0_i32, %c0_i32_0 : i32, i32
  }
}

</mosaic_0001>

<sc_bundles>
// kernel: kernel.11.cloned.1.call-start
scs
__scs_entry_jumppad:
0x0: {  	(pc) =	sbr.rel $0x88, $3  }
0x1: {  	(tag) =	ssettag $0x0;
	lr =	simm.s32 $0x1  }
0x2: {  	[smem:$0x3F94] =	sst lr;
	_ =	strace $0xD0000000  }
0x3: {  	_ = 	snop  }
0x4: {  	_ = 	snop  }
0x5: {  	_ = 	snop  }
0x6: {  	_ = 	snop  }
0x7: {  	_ = 	snop  }
__scs_overlays_trampoline_lowered:
0x8: {  	[smem:$0x3FA3] =	sst s0  }
0x9: {  	[smem:$0x3FA4] =	sst s1  }
0xa: {  	[smem:$0x3FA5] =	sst s2  }
0xb: {  	[smem:$0x3FA6] =	sst s3  }
0xc: {  	[smem:$0x3FA7] =	sst s4  }
0xd: {  	[smem:$0x3FA8] =	sst s5  }
0xe: {  	[smem:$0x3FA9] =	sst s6  }
0xf: {  	[smem:$0x3FAA] =	sst s7  }
0x10: {  	[smem:$0x3FAB] =	sst s8  }
0x11: {  	[smem:$0x3FAC] =	sst s9;
	s0 =	simm.s32 @!p0 $0x0  }
0x12: {  	s1 =	sld [smem:$0x3F92];
	s0 =	simm.s32 @p0 $0x1  }
0x13: {  	[smem:$0x3FAD] =	sst s0;
	s0 =	simm.s32 @!p1 $0x0  }
0x14: {  	s2 =	sld [smem:$0x3F91];
	s0 =	simm.s32 @p1 $0x1  }
0x15: {  	[smem:$0x3FAE] =	sst s0;
	s0 =	simm.s32 @!p2 $0x0  }
0x16: {  	s3 =	sld [smem:$0x3FDB];
	s0 =	simm.s32 @p2 $0x1  }
0x17: {  	s4 =	simm.s32 $0x1BF5;
	[smem:$0x3FB0] =	sst s0  }
0x18: {  	s0 =	sld [smem:$0x3F93];
	_ =	swait.ge [sflag:s4], $0x0  }
0x19: {  	s7 =	sld [smem:$0x3F94]  }
0x1a: {  	s8 =	sadd.s32 $0xFFFFE003, lr  }
0x1b: {  	s9 =	sadd.s32 $0xFFFFFEF7, lr;
	s5 =	simm.s32 $0xFFFFFFFF;
	p2 =	slt.u32 s8, $0xFFFFF086  }
0x1c: {  	p1 =	slt.u32 s9, $0xF7A;
	s5 =	simm.s32 @!p2 $0x0  }
0x1d: {  	s5 =	simm.s32 @p1 $0x1;
	p0 =	seq.s32 s7, s2  }
0x1e: {  	s7 =	smul.u32 @!p0 $0xF7A, s2;
	p2 =	seq.s32 @!p0 s5, $0x0  }
0x1f: {  	s9 =	smul.u32 $0xF7A, s1;
	s8 =	simm.s32 @!p0 $0x1BF5;
	p2 =	por !p2, p0  }
0x20: {  	[sflag:s8] =	ssyncset.s32 @!p0 $0xFFFFF086;
	s6 =	sadd.s32 @!p0 s3, s7;
	s7 =	simm.s32 @!p0 $0x108  }
0x21: {  	s3 =	sadd.s32 s3, s9;
	s6 =	sadd.s32 @!p0 $0x88, s6;
	s7 =	simm.s32 @p2 $0x1082  }
0x22: {  	[simem:s7], [sflag:s8] =	dma.local @!p0 [hbm:s6], $0xF7A  }
0x23: {  	s9 =	sor.u32 $0xD0000000, s2;
	s6 =	simm.s32 $0x108;
	_ =	swait.ge @!p0 [sflag:s8], $0x0  }
0x24: {  	s3 =	sadd.s32 $0x88, s3;
	s6 =	simm.s32 @!p1 $0x1082;
	[sflag:s4] =	ssyncset.s32 $0xFFFFF086  }
0x25: {  	[simem:s6], [sflag:s4] =	dma.local [hbm:s3], $0xF7A  }
0x26: {  	[smem:$0x3F94] =	sst s1;
	(tag) =	ssettag s2;
	_ =	strace s9  }
0x27: {  	s1 =	sld [smem:$0x3FA4]  }
0x28: {  	s2 =	sld [smem:$0x3FA5]  }
0x29: {  	s4 =	sld [smem:$0x3FA7]  }
0x2a: {  	p0 =	seq.s32 s5, $0x0;
	s5 =	sld [smem:$0x3FA8]  }
0x2b: {  	s6 =	sld [smem:$0x3FA9]  }
0x2c: {  	s7 =	sld [smem:$0x3FAA]  }
0x2d: {  	s3 =	simm.s32 $0x108;
	s8 =	sld [smem:$0x3FAB]  }
0x2e: {  	s3 =	simm.s32 @!p0 $0x1082;
	s9 =	sld [smem:$0x3FAC]  }
0x2f: {  	lr =	sadd.s32 s0, s3;
	s0 =	sld [smem:$0x3FA3]  }
0x30: {  	s3 =	sld [smem:$0x3FA6]  }
0x31: {  	[smem:$0x3FAF] =	sst s10  }
0x32: {  	s10 =	sld [smem:$0x3FAD];
	_ =	sdelay $0x3  }
0x33: {  	p0 =	seq.s32 s10, $0x1;
	s10 =	sld [smem:$0x3FAF];
	_ =	sdelay $0x3  }
0x34: {  	[smem:$0x3FAF] =	sst s10  }
0x35: {  	s10 =	sld [smem:$0x3FAE];
	_ =	sdelay $0x3  }
0x36: {  	p1 =	seq.s32 s10, $0x1;
	s10 =	sld [smem:$0x3FAF];
	_ =	sdelay $0x3  }
0x37: {  	[smem:$0x3FAF] =	sst s10  }
0x38: {  	s10 =	sld [smem:$0x3FB0]  }
0x39: {  	_ = 	snop;
	(pc) =	sbr.ind lr, $3  }
0x3a: {  	_ = 	snop  }
0x3b: {  	_ = 	snop  }
0x3c: {  	p2 =	seq.s32 s10, $0x1;
	s10 =	sld [smem:$0x3FAF]  }
0x3d: {  	_ =	shalt  }
0x3e: {  	_ =	shalt  }
0x3f: {  	_ =	shalt  }
0x40: {  	_ =	shalt  }
0x41: {  	_ =	shalt  }
0x42: {  	_ =	shalt  }
0x43: {  	_ =	shalt  }
0x44: {  	_ =	shalt  }
0x45: {  	_ =	shalt  }
0x46: {  	_ =	shalt  }
0x47: {  	_ =	shalt  }
0x48: {  	_ =	shalt  }
0x49: {  	_ =	shalt  }
0x4a: {  	_ =	shalt  }
0x4b: {  	_ =	shalt  }
0x4c: {  	_ =	shalt  }
0x4d: {  	_ =	shalt  }
0x4e: {  	_ =	shalt  }
0x4f: {  	_ =	shalt  }
0x50: {  	_ =	shalt  }
0x51: {  	_ =	shalt  }
0x52: {  	_ =	shalt  }
0x53: {  	_ =	shalt  }
0x54: {  	_ =	shalt  }
0x55: {  	_ =	shalt  }
0x56: {  	_ =	shalt  }
0x57: {  	_ =	shalt  }
0x58: {  	_ =	shalt  }
0x59: {  	_ =	shalt  }
0x5a: {  	_ =	shalt  }
0x5b: {  	_ =	shalt  }
0x5c: {  	_ =	shalt  }
0x5d: {  	_ =	shalt  }
0x5e: {  	_ =	shalt  }
0x5f: {  	_ =	shalt  }
0x60: {  	_ =	shalt  }
0x61: {  	_ =	shalt  }
0x62: {  	_ =	shalt  }
0x63: {  	_ =	shalt  }
0x64: {  	_ =	shalt  }
0x65: {  	_ =	shalt  }
0x66: {  	_ =	shalt  }
0x67: {  	_ =	shalt  }
0x68: {  	_ =	shalt  }
0x69: {  	_ =	shalt  }
0x6a: {  	_ =	shalt  }
0x6b: {  	_ =	shalt  }
0x6c: {  	_ =	shalt  }
0x6d: {  	_ =	shalt  }
0x6e: {  	_ =	shalt  }
0x6f: {  	_ =	shalt  }
0x70: {  	_ =	shalt  }
0x71: {  	_ =	shalt  }
0x72: {  	_ =	shalt  }
0x73: {  	_ =	shalt  }
0x74: {  	_ =	shalt  }
0x75: {  	_ =	shalt  }
0x76: {  	_ =	shalt  }
0x77: {  	_ =	shalt  }
0x78: {  	_ =	shalt  }
0x79: {  	_ =	shalt  }
0x7a: {  	_ =	shalt  }
0x7b: {  	_ =	shalt  }
0x7c: {  	_ =	shalt  }
0x7d: {  	_ =	shalt  }
0x7e: {  	_ =	shalt  }
0x7f: {  	_ =	shalt  }
0x80: {  	_ =	shalt  }
0x81: {  	_ =	shalt  }
0x82: {  	_ =	shalt  }
0x83: {  	_ =	shalt  }
0x84: {  	_ =	shalt  }
0x85: {  	_ =	shalt  }
0x86: {  	_ =	shalt  }
0x87: {  	_ =	shalt  }
.Lfunc_end0:
.L_simem_size_0:
called_computation.1_lowered:
.L_overlay_start_0:
0x88: {  	s2 =	sld [smem:$0x3FD9]  }
0x89: {  	s3 =	sld [smem:$0x3FFE];
	_ =	sdelay $0x1  }
0x8a: {  	s1 =	srdreg.scid  }
0x8b: {  	s0 =	sand.u32 $0x1, s1  }
0x8c: {  	s16 =	sshll.u32 s0, $0xA;
	s2 =	sadd.s32 s3, s2  }
0x8d: {  	s2 =	sadd.s32 s2, s16  }
0x8e: {  	[smem:$0x3FBB] =	sst s2  }
0x8f: {  	_ = 	snop  }
0x90: {  	(tm) =	ssettm $0x1  }
0x91: {  	s17 =	sld [smem:$0x3FFB];
	_ =	sdelay $0x3  }
0x92: {  	_ =	strace s17  }
0x93: {  	s2 =	sld [smem:$0x3FFC];
	_ =	sdelay $0x3  }
0x94: {  	_ =	strace s2  }
0x95: {  	s2 =	sld [smem:$0x3FFD];
	_ =	sdelay $0x3  }
0x96: {  	_ =	strace s2  }
0x97: {  	_ =	strace $0x8FFFFFFF  }
0x98: {  	s18 =	sld [smem:$0x3FDB];
	_ =	sdelay $0x1  }
0x99: {  	s19 =	simm.s32 $_scs_section_size  }
0x9a: {  	s4 =	simm.s32 $_size__tile_overlayer_lowered;
	s5 =	simm.s32 $_tile_overlayer_lowered  }
0x9b: {  	s22 =	simm.s32 $0x1BFF;
	s21 =	sshll.u32 s5, $0x1;
	s2 =	sadd.s32 s19, s18  }
0x9c: {  	s6 =	simm.s32 $0x0;
	s20 =	sshll.u32 s4, $0x1;
	s4 =	sadd.s32 s21, s2  }
0x9d: {  	[timem:s6], [sflag:s22] =	dma.local [hbm:s4], s20  }
0x9e: {  	_ =	swait.ge [sflag:s22], s20  }
0x9f: {  	s3 =	ssub.s32 $0x0, s20;
	[sflag:s22] =	ssyncset.done $0x0  }
0xa0: {  	[sflag:s22] =	ssyncadd.s32 s3;
	_ =	sdelay $0x1  }
0xa1: {  	s23 =	simm.s32 $0x1B8B  }
0xa2: {  	_ =	swait.ge [sflag:s23], $0x1  }
0xa3: {  	[sflag:s23] =	ssyncset.done $0x0  }
0xa4: {  	s25 =	simm.s32 $0x1B8E;
	s24 =	sld [smem:$0x3FFE];
	[sflag:s23] =	ssyncadd.s32 $0xFFFFFFFF  }
0xa5: {  	s26 =	simm.s32 $execute0_lowered;
	[smem:$0x3FD2] =	sst s25  }
0xa6: {  	s4 =	sshll.u32 s26, $0x1;
	_ =	strace $0x80000049;
	[dreg:$0x1] =	wrdreg $0xFFFFFFFF  }
0xa7: {  	s28 =	simm.s32 $_size_execute0_lowered;
	s2 =	sadd.s32 s2, s4;
	[dreg:$0x0] =	wrdreg $0x0  }
0xa8: {  	s4 =	sshll.u32 s28, $0x1;
	[dreg:$0x2] =	wrdreg s2  }
0xa9: {  	[dreg:$0x3] =	wrdreg s4  }
0xaa: {  	[dreg:$0x4] =	wrdreg $0xC0  }
0xab: {  	_ =	task [dreg:s6], $0x5FFFF  }
0xac: {  	[dreg:$0x1] =	wrdreg $0xFFFFFFFF  }
0xad: {  	[dreg:$0x0] =	wrdreg $0x60  }
0xae: {  	[dreg:$0x2] =	wrdreg s24  }
0xaf: {  	[dreg:$0x3] =	wrdreg $0xA0000  }
0xb0: {  	[dreg:$0x4] =	wrdreg $0x9  }
0xb1: {  	_ =	task.clear_ibuf [dreg:s6], $0x5FFFF;
	_ =	strace $0x90000049  }
0xb2: {  	s29 =	simm.s32 $0x9;
	_ =	strace $0x8000004B  }
0xb3: {  	_ =	swait.ge [sflag:s29], $0x1  }
0xb4: {  	[sflag:s29] =	ssyncadd.s32 $0xFFFFFFFF  }
0xb5: {  	_ =	strace $0x9000004B  }
0xb6: {  	_ =	sfence  }
0xb7: {  	s30 =	sld [smem:$0x0];
	_ =	sdelay $0x2  }
0xb8: {  	s31 =	sshll.u32 s1, $0xD;
	s1 =	sshrl.u32 s1, $0x2  }
0xb9: {  	s3 =	sand.u32 $0x4000, s31;
	s1 =	sadd.s32 s1, s30  }
0xba: {  	s0 =	sor.u32 s3, s0;
	s1 =	sshll.u32 s1, $0x11  }
0xbb: {  	s0 =	sor.u32 s1, s0  }
0xbc: {  	s0 =	sadd.s32 $0x8F2B, s0  }
0xbd: {  	[sflag:s0] =	ssyncadd.remote.s32 $0x1  }
0xbe: {  	_ =	sfence.sel $0xFFFF  }
0xbf: {  	[dreg:$0x0] =	wrdreg $0xFFFFFFFF;
	(pc) =	sbr.abs _section_cstart, $3  }
0xc0: {  	[dreg:$0x1] =	wrdreg $0xFFFFFFFF  }
0xc1: {  	_ =	task.clear_ibuf [dreg:s6], $0x2FFFF;
	_ =	strace $0x9FFFFFFF  }
0xc2: {  	(tm) =	ssettm $0x7FFFFFFF  }
0xc3: {  	_ =	shalt  }
tec
execute0_lowered:
.L_overlay_start_1:
0x0: {  	(tag) =	ssettag $0x1  }
0x1: {  	s7 =	rddreg [dreg:$0x0]  }
0x2: {  	s1 =	rddreg [dreg:$0x1];
	s3 =	simm.s32 $0x0;
	s2 =	srdreg.scid  }
0x3: {  	s0 =	stileid.u32;
	s15 =	simm.s32 $0x1000;
	s16 =	simm.s32 $0x80  }
0x4: {  	s17 =	simm.s32 $0x2000;
	s18 =	simm.s32 $0x3;
	s20 =	simm.s32 $0x6000  }
0x5: {  	s21 =	simm.s32 $0x880;
	s22 =	simm.s32 $0x4;
	s23 =	simm.s32 $0x5  }
0x6: {  	s24 =	simm.s32 $0x0;
	[smem:$0x7FF] =	sst s3;
	s10 =	smul.u32 $0x14000, s0  }
0x7: {  	s8 =	sand.u32 $0x1, s2;
	s4 =	sadd.s32 $0x18200, s7;
	s29 =	smul.u32 $0x5000, s0  }
0x8: {  	s5 =	sadd.s32 $0xB8A00, s7;
	s6 =	sadd.s32 $0x15A00, s7;
	s9 =	smul.u32 $0x140000, s8  }
0x9: {  	s13 =	smul.u32 $0x50000, s0;
	s31 =	sshll.u32 s0, $0x6;
	_ =	strace $0x8000004A  }
0xa: {  	s11 =	smul.u32 $0x50000, s8;
	s8 =	ssub.s32 $0x2, s8;
	s9 =	sadd.s32 s10, s9  }
0xb: {  	s12 =	sshrl.u32 s8, $0x1;
	s30 =	sshrl.u32 s13, $0x2;
	s9 =	sshrl.u32 s9, $0x3  }
0xc: {  	s12 =	ssub.s32 s8, s12;
	s14 =	sadd.s32 s9, s7;
	s7 =	sadd.s32 s29, s11  }
0xd: {  	s13 =	sadd.s32 s30, s1;
	s8 =	sor.u32 $0x1C06, s31;
	s10 =	sshrl.u32 s7, $0x3  }
0xe: {  	s12 =	smax.u32 s12, $0x1;
	s13 =	sshrl.u32 s13, $0x3;
	s9 =	sadd.s32 s5, s10  }
0xf: {  	s11 =	sadd.s32 $0x68200, s14;
	s14 =	simm.s32 $0x6;
	s10 =	sadd.s32 $0x200, s9  }
.LBB2_1:
0x10: {  	[spmem:s13], [sflag:s8] =	dma.local [hbm:s6], $0x2800  }
0x11: {  	_ =	swait.ge [sflag:s14], $0x2800  }
0x12: {  	[sflag:s14] =	ssyncset.done $0x0  }
0x13: {  	[sflag:s14] =	ssyncadd.s32 $0xFFFFD800  }
0x14: {  	[tilespmem:s3], [sflag:$0x6] =	stream.linear.gather [hbm4b:s9+s3], $0x1000, $0x38;
	[tilespmem:$0x1E000] =	vst v63  }
0x15: {  	_ =	swait.ge [sflag:s14], $0x1000  }
0x16: {  	[sflag:s14] =	ssyncset.done $0x0  }
0x17: {  	[sflag:s14] =	ssyncadd.s32 $0xFFFFF000  }
0x18: {  	[bflag:$0x0] =	sbarrier.arrive $0xFFFF  }
0x19: {  	[tilespmem:s15], [sflag:$0x2] =	stream.linear.gather [hbm4b:s10+s3], $0x1000, $0x38;
	[tilespmem:$0x1E000] =	vst v63  }
0x1a: {  	_ = 	snop  }
0x1b: {  	[tilespmem:s17], [sflag:$0x3] =	stream.indirect.gather [hbm4b:s4+s16], $0x80, s3, s16, $0xb8;
	[tilespmem:$0x1E000] =	vst v63  }
0x1c: {  	_ =	swait.ge [sflag:s18], $0x4000  }
0x1d: {  	[sflag:s18] =	ssyncset.done $0x0  }
0x1e: {  	s0 =	simm.s32 $0x800;
	[sflag:s18] =	ssyncadd.s32 $0xFFFFC000  }
0x1f: {  	[spmem:s1] =	stream.indirect.scatter.add.f32 [tilespmem:s17], [sflag:$0x4], $0x80, s0, s16, $0xb8;
	[tilespmem:$0x1E000] =	vst v63  }
0x20: {  	_ = 	snop  }
0x21: {  	[tilespmem:s15], [sflag:$0x2] =	stream.linear.gather [hbm4b:s10+s3], $0x1000, $0x38;
	[tilespmem:$0x1E000] =	vst v63  }
0x22: {  	s25 =	simm.s32 $0x2  }
0x23: {  	[tilespmem:s20], [sflag:$0x3] =	stream.indirect.gather [hbm4b:s4+s16], $0x80, s16, s16, $0xb8;
	[tilespmem:$0x1E000] =	vst v63  }
0x24: {  	s26 =	simm.s32 $0x0;
	s28 =	sand.u32 $0xF, s25;
	_ =	swait.ge [sflag:s18], $0x4000  }
0x25: {  	s29 =	sand.u32 $0x1, s26;
	p1 =	sne.s32 s28, $0x0;
	[sflag:s18] =	ssyncset.done $0x0  }
0x26: {  	s2 =	sand.u32 $0x4F, s25;
	s30 =	sadd.s32 @!p1 $0x1, s29;
	[sflag:s18] =	ssyncadd.s32 $0xFFFFC000  }
0x27: {  	[spmem:s1] =	stream.indirect.scatter.add.f32 [tilespmem:s20], [sflag:$0x5], $0x80, s21, s16, $0xb8;
	[tilespmem:$0x1E000] =	vst v63  }
0x28: {  	p0 =	sne.s32 s2, $0x1;
	_ =	swait.ge @!p1 [sflag:s30], $0x1000  }
0x29: {  	s25 =	sand.u32 $0x1, s25;
	s26 =	simm.s32 @!p0 $0x1;
	[sflag:s30] =	ssyncset.done @!p1 $0x0  }
0x2a: {  	s31 =	sand.u32 @!p0 $0x1, s26;
	s26 =	sor.u32 $0x4, s25;
	[sflag:s30] =	ssyncadd.s32 @!p1 $0xFFFFF000  }
0x2b: {  	s2 =	simm.s32 @!p0 $0x0;
	s30 =	sadd.s32 @!p0 $0x1000, s7;
	_ =	swait.ge [sflag:s26], $0x4000  }
0x2c: {  	s0 =	sshll.u32 @!p0 s31, $0xC;
	s30 =	sshrl.u32 @!p0 s30, $0x3;
	[sflag:s26] =	ssyncset.done $0x0  }
0x2d: {  	s31 =	sadd.s32 @!p0 $0x1, s31;
	s30 =	sadd.s32 @!p0 s5, s30;
	[sflag:s26] =	ssyncadd.s32 $0xFFFFC000  }
0x2e: {  	[tilespmem:s0], [sflag:s31] =	stream.linear.gather @!p0 [hbm4b:s30+s2], $0x1000, $0x38;
	[tilespmem:$0x1E000] =	vst v63  }
0x2f: {  	s19 =	sshll.u32 s25, $0xE;
	s25 =	sshll.u32 s29, $0xC;
	s30 =	sshll.u32 s28, $0x7  }
0x30: {  	s28 =	sor.u32 $0x2000, s19;
	s31 =	sor.u32 s30, s25  }
0x31: {  	[tilespmem:s28], [sflag:$0x3] =	stream.indirect.gather [hbm4b:s4+s16], $0x80, s31, s16, $0xb8;
	[tilespmem:$0x1E000] =	vst v63  }
0x32: {  	_ =	swait.ge [sflag:s18], $0x4000  }
0x33: {  	[sflag:s18] =	ssyncset.done $0x0  }
0x34: {  	s25 =	simm.s32 $0x3;
	s29 =	sor.u32 $0x800, s31;
	[sflag:s18] =	ssyncadd.s32 $0xFFFFC000  }
.LBB2_2:
0x35: {  	[spmem:s1] =	stream.indirect.scatter.add.f32 [tilespmem:s28], [sflag:s26], $0x80, s29, s16, $0xb8;
	[tilespmem:$0x1E000] =	vst v63  }
0x36: {  	s0 =	smov.u32 s25  }
0x37: {  	s25 =	sadd.s32 $0x1, s25;
	s2 =	sand.u32 $0x1, s0;
	s26 =	sand.u32 $0x4F, s0  }
0x38: {  	s28 =	sshrl.u32 s0, $0x4;
	s0 =	sand.u32 $0xF, s0;
	p0 =	sne.s32 s26, $0x1  }
0x39: {  	s29 =	sand.u32 $0x1, s28;
	p1 =	sne.s32 s0, $0x0;
	s26 =	sadd.s32 @!p0 $0x1, s28  }
0x3a: {  	s28 =	sadd.s32 @!p1 $0x1, s29;
	s30 =	sshll.u32 @!p0 s26, $0xC;
	s26 =	sand.u32 @!p0 $0x1, s26  }
0x3b: {  	_ =	swait.ge @!p1 [sflag:s28], $0x1000;
	s30 =	sadd.s32 @!p0 s7, s30;
	s31 =	sshll.u32 @!p0 s26, $0xC  }
0x3c: {  	s19 =	sadd.s32 @!p0 $0x1, s26;
	[sflag:s28] =	ssyncset.done @!p1 $0x0;
	s30 =	sshrl.u32 @!p0 s30, $0x3  }
0x3d: {  	s26 =	sor.u32 $0x4, s2;
	[sflag:s28] =	ssyncadd.s32 @!p1 $0xFFFFF000;
	s28 =	sadd.s32 @!p0 s5, s30  }
0x3e: {  	s29 =	sshll.u32 s29, $0xC;
	s2 =	sshll.u32 s2, $0xE;
	_ =	swait.ge [sflag:s26], $0x4000  }
0x3f: {  	p1 =	sne.s32 s25, $0x50;
	[sflag:s26] =	ssyncset.done $0x0  }
0x40: {  	s0 =	sshll.u32 s0, $0x7;
	s30 =	simm.s32 @!p0 $0x0;
	[sflag:s26] =	ssyncadd.s32 $0xFFFFC000  }
0x41: {  	[tilespmem:s31], [sflag:s19] =	stream.linear.gather @!p0 [hbm4b:s28+s30], $0x1000, $0x38;
	[tilespmem:$0x1E000] =	vst v63  }
.Ltmp0:
0x42: {  	s0 =	sor.u32 s0, s29;
	s28 =	sor.u32 $0x2000, s2;
	(pc) =	sbr.rel @p1 .LBB2_2-.Ltmp0, $4  }
0x43: {  	[tilespmem:s28], [sflag:$0x3] =	stream.indirect.gather [hbm4b:s4+s16], $0x80, s0, s16, $0xb8;
	[tilespmem:$0x1E000] =	vst v63  }
0x44: {  	_ =	swait.ge [sflag:s18], $0x4000  }
0x45: {  	[sflag:s18] =	ssyncset.done $0x0  }
0x46: {  	s29 =	sor.u32 $0x800, s0;
	[sflag:s18] =	ssyncadd.s32 $0xFFFFC000  }
0x47: {  	[spmem:s1] =	stream.indirect.scatter.add.f32 [tilespmem:s28], [sflag:s26], $0x80, s29, s16, $0xb8;
	[tilespmem:$0x1E000] =	vst v63  }
0x48: {  	_ =	swait.ge [sflag:s22], $0x4000  }
0x49: {  	[sflag:s22] =	ssyncset.done $0x0  }
0x4a: {  	[sflag:s22] =	ssyncadd.s32 $0xFFFFC000  }
0x4b: {  	_ =	swait.ge [sflag:s23], $0x4000  }
0x4c: {  	s24 =	sadd.s32 $0x1, s24;
	[sflag:s23] =	ssyncset.done $0x0  }
0x4d: {  	p0 =	sne.s32 s24, s12;
	[sflag:s23] =	ssyncadd.s32 $0xFFFFC000  }
.Ltmp1:
0x4e: {  	[bflag:$0x0] =	sbarrier.arrive $0xFFFF;
	(pc) =	sbr.rel @p0 .LBB2_1-.Ltmp1, $4  }
0x4f: {  	[hbm:s11], [sflag:s8] =	dma.local [spmem:s13], $0x2800  }
0x50: {  	_ =	swait.ge [sflag:s14], $0x2800  }
0x51: {  	[sflag:s14] =	ssyncset.done $0x0  }
0x52: {  	[sflag:s14] =	ssyncadd.s32 $0xFFFFD800  }
0x53: {  	_ =	sfence.sel $0x180000  }
0x54: {  	[bflag:$0x0] =	sbarrier.arrive $0xFFFF  }
0x55: {  	_ =	strace $0x9000004A  }
0x56: {  	s0 =	stileid.u32;
	[bflag:$0x2] =	sbarrier.arrive $0xFFFF  }
0x57: {  	p0 =	sne.s32 s0, $0x0;
	s0 =	rddreg [dreg:$0x2]  }
0x58: {  	s0 =	sadd.s32 @!p0 $0x100000, s0  }
0x59: {  	[sflag:s0] =	ssyncadd.tile.s32 @!p0 $0x1;
	_ =	shalt  }
.Lfunc_end2:
_tile_overlayer_lowered:
.L_overlay_start_2:
0x5a: {  	(tag) =	ssettag $0x2  }
0x5b: {  	s0 =	rddreg [dreg:$0x0];
	s2 =	stileid.u32  }
0x5c: {  	s1 =	rddreg [dreg:$0x1];
	p0 =	sne.s32 s2, $0x0  }
0x5d: {  	s3 =	rddreg [dreg:$0x2];
	[bflag:$0x3] =	sbarrier.arrive $0xFFFF;
	s2 =	simm.s32 @!p0 $0x1C06  }
0x5e: {  	[timem:s3], [sflag:s2] =	dma.local @!p0 [hbm:s0], s1  }
0x5f: {  	s0 =	simm.s32 @!p0 $0x6  }
0x60: {  	_ =	swait.ge @!p0 [sflag:s0], s1  }
0x61: {  	s1 =	ssub.s32 @!p0 $0x0, s1;
	[sflag:s0] =	ssyncset.done @!p0 $0x0  }
0x62: {  	[sflag:s0] =	ssyncadd.s32 @!p0 s1  }
0x63: {  	[bflag:$0x3] =	sbarrier.arrive $0xFFFF  }
0x64: {  	_ =	shalt  }

// kernel: kernel.14.cloned.1.call-start
scs
__scs_entry_jumppad:
0x0: {  	(pc) =	sbr.rel $0x88, $3  }
0x1: {  	(tag) =	ssettag $0x0;
	lr =	simm.s32 $0x1  }
0x2: {  	[smem:$0x3F94] =	sst lr;
	_ =	strace $0xD0000000  }
0x3: {  	_ = 	snop  }
0x4: {  	_ = 	snop  }
0x5: {  	_ = 	snop  }
0x6: {  	_ = 	snop  }
0x7: {  	_ = 	snop  }
__scs_overlays_trampoline_lowered:
0x8: {  	[smem:$0x3FA3] =	sst s0  }
0x9: {  	[smem:$0x3FA4] =	sst s1  }
0xa: {  	[smem:$0x3FA5] =	sst s2  }
0xb: {  	[smem:$0x3FA6] =	sst s3  }
0xc: {  	[smem:$0x3FA7] =	sst s4  }
0xd: {  	[smem:$0x3FA8] =	sst s5  }
0xe: {  	[smem:$0x3FA9] =	sst s6  }
0xf: {  	[smem:$0x3FAA] =	sst s7  }
0x10: {  	[smem:$0x3FAB] =	sst s8  }
0x11: {  	[smem:$0x3FAC] =	sst s9;
	s0 =	simm.s32 @!p0 $0x0  }
0x12: {  	s1 =	sld [smem:$0x3F92];
	s0 =	simm.s32 @p0 $0x1  }
0x13: {  	[smem:$0x3FAD] =	sst s0;
	s0 =	simm.s32 @!p1 $0x0  }
0x14: {  	s2 =	sld [smem:$0x3F91];
	s0 =	simm.s32 @p1 $0x1  }
0x15: {  	[smem:$0x3FAE] =	sst s0;
	s0 =	simm.s32 @!p2 $0x0  }
0x16: {  	s3 =	sld [smem:$0x3FDB];
	s0 =	simm.s32 @p2 $0x1  }
0x17: {  	s4 =	simm.s32 $0x1BF5;
	[smem:$0x3FB0] =	sst s0  }
0x18: {  	s0 =	sld [smem:$0x3F93];
	_ =	swait.ge [sflag:s4], $0x0  }
0x19: {  	s7 =	sld [smem:$0x3F94]  }
0x1a: {  	s8 =	sadd.s32 $0xFFFFE003, lr  }
0x1b: {  	s9 =	sadd.s32 $0xFFFFFEF7, lr;
	s5 =	simm.s32 $0xFFFFFFFF;
	p2 =	slt.u32 s8, $0xFFFFF086  }
0x1c: {  	p1 =	slt.u32 s9, $0xF7A;
	s5 =	simm.s32 @!p2 $0x0  }
0x1d: {  	s5 =	simm.s32 @p1 $0x1;
	p0 =	seq.s32 s7, s2  }
0x1e: {  	s7 =	smul.u32 @!p0 $0xF7A, s2;
	p2 =	seq.s32 @!p0 s5, $0x0  }
0x1f: {  	s9 =	smul.u32 $0xF7A, s1;
	s8 =	simm.s32 @!p0 $0x1BF5;
	p2 =	por !p2, p0  }
0x20: {  	[sflag:s8] =	ssyncset.s32 @!p0 $0xFFFFF086;
	s6 =	sadd.s32 @!p0 s3, s7;
	s7 =	simm.s32 @!p0 $0x108  }
0x21: {  	s3 =	sadd.s32 s3, s9;
	s6 =	sadd.s32 @!p0 $0x88, s6;
	s7 =	simm.s32 @p2 $0x1082  }
0x22: {  	[simem:s7], [sflag:s8] =	dma.local @!p0 [hbm:s6], $0xF7A  }
0x23: {  	s9 =	sor.u32 $0xD0000000, s2;
	s6 =	simm.s32 $0x108;
	_ =	swait.ge @!p0 [sflag:s8], $0x0  }
0x24: {  	s3 =	sadd.s32 $0x88, s3;
	s6 =	simm.s32 @!p1 $0x1082;
	[sflag:s4] =	ssyncset.s32 $0xFFFFF086  }
0x25: {  	[simem:s6], [sflag:s4] =	dma.local [hbm:s3], $0xF7A  }
0x26: {  	[smem:$0x3F94] =	sst s1;
	(tag) =	ssettag s2;
	_ =	strace s9  }
0x27: {  	s1 =	sld [smem:$0x3FA4]  }
0x28: {  	s2 =	sld [smem:$0x3FA5]  }
0x29: {  	s4 =	sld [smem:$0x3FA7]  }
0x2a: {  	p0 =	seq.s32 s5, $0x0;
	s5 =	sld [smem:$0x3FA8]  }
0x2b: {  	s6 =	sld [smem:$0x3FA9]  }
0x2c: {  	s7 =	sld [smem:$0x3FAA]  }
0x2d: {  	s3 =	simm.s32 $0x108;
	s8 =	sld [smem:$0x3FAB]  }
0x2e: {  	s3 =	simm.s32 @!p0 $0x1082;
	s9 =	sld [smem:$0x3FAC]  }
0x2f: {  	lr =	sadd.s32 s0, s3;
	s0 =	sld [smem:$0x3FA3]  }
0x30: {  	s3 =	sld [smem:$0x3FA6]  }
0x31: {  	[smem:$0x3FAF] =	sst s10  }
0x32: {  	s10 =	sld [smem:$0x3FAD];
	_ =	sdelay $0x3  }
0x33: {  	p0 =	seq.s32 s10, $0x1;
	s10 =	sld [smem:$0x3FAF];
	_ =	sdelay $0x3  }
0x34: {  	[smem:$0x3FAF] =	sst s10  }
0x35: {  	s10 =	sld [smem:$0x3FAE];
	_ =	sdelay $0x3  }
0x36: {  	p1 =	seq.s32 s10, $0x1;
	s10 =	sld [smem:$0x3FAF];
	_ =	sdelay $0x3  }
0x37: {  	[smem:$0x3FAF] =	sst s10  }
0x38: {  	s10 =	sld [smem:$0x3FB0]  }
0x39: {  	_ = 	snop;
	(pc) =	sbr.ind lr, $3  }
0x3a: {  	_ = 	snop  }
0x3b: {  	_ = 	snop  }
0x3c: {  	p2 =	seq.s32 s10, $0x1;
	s10 =	sld [smem:$0x3FAF]  }
0x3d: {  	_ =	shalt  }
0x3e: {  	_ =	shalt  }
0x3f: {  	_ =	shalt  }
0x40: {  	_ =	shalt  }
0x41: {  	_ =	shalt  }
0x42: {  	_ =	shalt  }
0x43: {  	_ =	shalt  }
0x44: {  	_ =	shalt  }
0x45: {  	_ =	shalt  }
0x46: {  	_ =	shalt  }
0x47: {  	_ =	shalt  }
0x48: {  	_ =	shalt  }
0x49: {  	_ =	shalt  }
0x4a: {  	_ =	shalt  }
0x4b: {  	_ =	shalt  }
0x4c: {  	_ =	shalt  }
0x4d: {  	_ =	shalt  }
0x4e: {  	_ =	shalt  }
0x4f: {  	_ =	shalt  }
0x50: {  	_ =	shalt  }
0x51: {  	_ =	shalt  }
0x52: {  	_ =	shalt  }
0x53: {  	_ =	shalt  }
0x54: {  	_ =	shalt  }
0x55: {  	_ =	shalt  }
0x56: {  	_ =	shalt  }
0x57: {  	_ =	shalt  }
0x58: {  	_ =	shalt  }
0x59: {  	_ =	shalt  }
0x5a: {  	_ =	shalt  }
0x5b: {  	_ =	shalt  }
0x5c: {  	_ =	shalt  }
0x5d: {  	_ =	shalt  }
0x5e: {  	_ =	shalt  }
0x5f: {  	_ =	shalt  }
0x60: {  	_ =	shalt  }
0x61: {  	_ =	shalt  }
0x62: {  	_ =	shalt  }
0x63: {  	_ =	shalt  }
0x64: {  	_ =	shalt  }
0x65: {  	_ =	shalt  }
0x66: {  	_ =	shalt  }
0x67: {  	_ =	shalt  }
0x68: {  	_ =	shalt  }
0x69: {  	_ =	shalt  }
0x6a: {  	_ =	shalt  }
0x6b: {  	_ =	shalt  }
0x6c: {  	_ =	shalt  }
0x6d: {  	_ =	shalt  }
0x6e: {  	_ =	shalt  }
0x6f: {  	_ =	shalt  }
0x70: {  	_ =	shalt  }
0x71: {  	_ =	shalt  }
0x72: {  	_ =	shalt  }
0x73: {  	_ =	shalt  }
0x74: {  	_ =	shalt  }
0x75: {  	_ =	shalt  }
0x76: {  	_ =	shalt  }
0x77: {  	_ =	shalt  }
0x78: {  	_ =	shalt  }
0x79: {  	_ =	shalt  }
0x7a: {  	_ =	shalt  }
0x7b: {  	_ =	shalt  }
0x7c: {  	_ =	shalt  }
0x7d: {  	_ =	shalt  }
0x7e: {  	_ =	shalt  }
0x7f: {  	_ =	shalt  }
0x80: {  	_ =	shalt  }
0x81: {  	_ =	shalt  }
0x82: {  	_ =	shalt  }
0x83: {  	_ =	shalt  }
0x84: {  	_ =	shalt  }
0x85: {  	_ =	shalt  }
0x86: {  	_ =	shalt  }
0x87: {  	_ =	shalt  }
.Lfunc_end0:
.L_simem_size_0:
called_computation.2_lowered:
.L_overlay_start_0:
0x88: {  	s2 =	sld [smem:$0x3FD9]  }
0x89: {  	s3 =	sld [smem:$0x3FFE];
	_ =	sdelay $0x1  }
0x8a: {  	s1 =	srdreg.scid  }
0x8b: {  	s0 =	sand.u32 $0x1, s1  }
0x8c: {  	s16 =	sshll.u32 s0, $0xA;
	s2 =	sadd.s32 s3, s2  }
0x8d: {  	s2 =	sadd.s32 s2, s16  }
0x8e: {  	[smem:$0x3FBB] =	sst s2  }
0x8f: {  	_ = 	snop  }
0x90: {  	(tm) =	ssettm $0x1  }
0x91: {  	s17 =	sld [smem:$0x3FFB];
	_ =	sdelay $0x3  }
0x92: {  	_ =	strace s17  }
0x93: {  	s2 =	sld [smem:$0x3FFC];
	_ =	sdelay $0x3  }
0x94: {  	_ =	strace s2  }
0x95: {  	s2 =	sld [smem:$0x3FFD];
	_ =	sdelay $0x3  }
0x96: {  	_ =	strace s2  }
0x97: {  	_ =	strace $0x8FFFFFFF  }
0x98: {  	s18 =	sld [smem:$0x3FDB];
	_ =	sdelay $0x1  }
0x99: {  	s19 =	simm.s32 $_scs_section_size  }
0x9a: {  	s4 =	simm.s32 $_size__tile_overlayer_lowered;
	s5 =	simm.s32 $_tile_overlayer_lowered  }
0x9b: {  	s22 =	simm.s32 $0x1BFF;
	s21 =	sshll.u32 s5, $0x1;
	s2 =	sadd.s32 s19, s18  }
0x9c: {  	s6 =	simm.s32 $0x0;
	s20 =	sshll.u32 s4, $0x1;
	s4 =	sadd.s32 s21, s2  }
0x9d: {  	[timem:s6], [sflag:s22] =	dma.local [hbm:s4], s20  }
0x9e: {  	_ =	swait.ge [sflag:s22], s20  }
0x9f: {  	s3 =	ssub.s32 $0x0, s20;
	[sflag:s22] =	ssyncset.done $0x0  }
0xa0: {  	[sflag:s22] =	ssyncadd.s32 s3;
	_ =	sdelay $0x1  }
0xa1: {  	s23 =	simm.s32 $0x1B8B  }
0xa2: {  	_ =	swait.ge [sflag:s23], $0x1  }
0xa3: {  	[sflag:s23] =	ssyncset.done $0x0  }
0xa4: {  	s25 =	simm.s32 $0x1B8E;
	s24 =	sld [smem:$0x3FFE];
	[sflag:s23] =	ssyncadd.s32 $0xFFFFFFFF  }
0xa5: {  	s26 =	simm.s32 $execute0_lowered;
	[smem:$0x3FD2] =	sst s25  }
0xa6: {  	s4 =	sshll.u32 s26, $0x1;
	_ =	strace $0x8000004C;
	[dreg:$0x1] =	wrdreg $0xFFFFFFFF  }
0xa7: {  	s28 =	simm.s32 $_size_execute0_lowered;
	s2 =	sadd.s32 s2, s4;
	[dreg:$0x0] =	wrdreg $0x0  }
0xa8: {  	s4 =	sshll.u32 s28, $0x1;
	[dreg:$0x2] =	wrdreg s2  }
0xa9: {  	[dreg:$0x3] =	wrdreg s4  }
0xaa: {  	[dreg:$0x4] =	wrdreg $0xC0  }
0xab: {  	_ =	task [dreg:s6], $0x5FFFF  }
0xac: {  	[dreg:$0x1] =	wrdreg $0xFFFFFFFF  }
0xad: {  	[dreg:$0x0] =	wrdreg $0x60  }
0xae: {  	[dreg:$0x2] =	wrdreg s24  }
0xaf: {  	[dreg:$0x3] =	wrdreg $0xA0000  }
0xb0: {  	[dreg:$0x4] =	wrdreg $0x9  }
0xb1: {  	_ =	task.clear_ibuf [dreg:s6], $0x5FFFF;
	_ =	strace $0x9000004C  }
0xb2: {  	s29 =	simm.s32 $0x9;
	_ =	strace $0x8000004E  }
0xb3: {  	_ =	swait.ge [sflag:s29], $0x1  }
0xb4: {  	[sflag:s29] =	ssyncadd.s32 $0xFFFFFFFF  }
0xb5: {  	_ =	strace $0x9000004E  }
0xb6: {  	_ =	sfence  }
0xb7: {  	s30 =	sld [smem:$0x0];
	_ =	sdelay $0x2  }
0xb8: {  	s31 =	sshll.u32 s1, $0xD;
	s1 =	sshrl.u32 s1, $0x2  }
0xb9: {  	s3 =	sand.u32 $0x4000, s31;
	s1 =	sadd.s32 s1, s30  }
0xba: {  	s0 =	sor.u32 s3, s0;
	s1 =	sshll.u32 s1, $0x11  }
0xbb: {  	s0 =	sor.u32 s1, s0  }
0xbc: {  	s0 =	sadd.s32 $0x8F2B, s0  }
0xbd: {  	[sflag:s0] =	ssyncadd.remote.s32 $0x1  }
0xbe: {  	_ =	sfence.sel $0xFFFF  }
0xbf: {  	[dreg:$0x0] =	wrdreg $0xFFFFFFFF;
	(pc) =	sbr.abs _section_cstart, $3  }
0xc0: {  	[dreg:$0x1] =	wrdreg $0xFFFFFFFF  }
0xc1: {  	_ =	task.clear_ibuf [dreg:s6], $0x2FFFF;
	_ =	strace $0x9FFFFFFF  }
0xc2: {  	(tm) =	ssettm $0x7FFFFFFF  }
0xc3: {  	_ =	shalt  }
tec
execute0_lowered:
.L_overlay_start_1:
0x0: {  	(tag) =	ssettag $0x1  }
0x1: {  	s7 =	rddreg [dreg:$0x0]  }
0x2: {  	s1 =	rddreg [dreg:$0x1];
	s3 =	simm.s32 $0x0;
	s2 =	srdreg.scid  }
0x3: {  	s0 =	stileid.u32;
	s15 =	simm.s32 $0x1000;
	s16 =	simm.s32 $0x80  }
0x4: {  	s17 =	simm.s32 $0x2000;
	s18 =	simm.s32 $0x3;
	s20 =	simm.s32 $0x6000  }
0x5: {  	s21 =	simm.s32 $0x880;
	s22 =	simm.s32 $0x4;
	s23 =	simm.s32 $0x5  }
0x6: {  	s24 =	simm.s32 $0x0;
	[smem:$0x7FF] =	sst s3;
	s10 =	smul.u32 $0x14000, s0  }
0x7: {  	s8 =	sand.u32 $0x1, s2;
	s4 =	sadd.s32 $0x18200, s7;
	s29 =	smul.u32 $0x5000, s0  }
0x8: {  	s5 =	sadd.s32 $0xB8A00, s7;
	s6 =	sadd.s32 $0x15A00, s7;
	s9 =	smul.u32 $0x140000, s8  }
0x9: {  	s13 =	smul.u32 $0x50000, s0;
	s31 =	sshll.u32 s0, $0x6;
	_ =	strace $0x8000004D  }
0xa: {  	s11 =	smul.u32 $0x50000, s8;
	s8 =	ssub.s32 $0x2, s8;
	s9 =	sadd.s32 s10, s9  }
0xb: {  	s12 =	sshrl.u32 s8, $0x1;
	s30 =	sshrl.u32 s13, $0x2;
	s9 =	sshrl.u32 s9, $0x3  }
0xc: {  	s12 =	ssub.s32 s8, s12;
	s14 =	sadd.s32 s9, s7;
	s7 =	sadd.s32 s29, s11  }
0xd: {  	s13 =	sadd.s32 s30, s1;
	s8 =	sor.u32 $0x1C06, s31;
	s10 =	sshrl.u32 s7, $0x3  }
0xe: {  	s12 =	smax.u32 s12, $0x1;
	s13 =	sshrl.u32 s13, $0x3;
	s9 =	sadd.s32 s5, s10  }
0xf: {  	s11 =	sadd.s32 $0x68200, s14;
	s14 =	simm.s32 $0x6;
	s10 =	sadd.s32 $0x200, s9  }
.LBB2_1:
0x10: {  	[spmem:s13], [sflag:s8] =	dma.local [hbm:s6], $0x2800  }
0x11: {  	_ =	swait.ge [sflag:s14], $0x2800  }
0x12: {  	[sflag:s14] =	ssyncset.done $0x0  }
0x13: {  	[sflag:s14] =	ssyncadd.s32 $0xFFFFD800  }
0x14: {  	[tilespmem:s3], [sflag:$0x6] =	stream.linear.gather [hbm4b:s9+s3], $0x1000, $0x38;
	[tilespmem:$0x1E000] =	vst v63  }
0x15: {  	_ =	swait.ge [sflag:s14], $0x1000  }
0x16: {  	[sflag:s14] =	ssyncset.done $0x0  }
0x17: {  	[sflag:s14] =	ssyncadd.s32 $0xFFFFF000  }
0x18: {  	[bflag:$0x0] =	sbarrier.arrive $0xFFFF  }
0x19: {  	[tilespmem:s15], [sflag:$0x2] =	stream.linear.gather [hbm4b:s10+s3], $0x1000, $0x38;
	[tilespmem:$0x1E000] =	vst v63  }
0x1a: {  	_ = 	snop  }
0x1b: {  	[tilespmem:s17], [sflag:$0x3] =	stream.indirect.gather [hbm4b:s4+s16], $0x80, s3, s16, $0xb8;
	[tilespmem:$0x1E000] =	vst v63  }
0x1c: {  	_ =	swait.ge [sflag:s18], $0x4000  }
0x1d: {  	[sflag:s18] =	ssyncset.done $0x0  }
0x1e: {  	s0 =	simm.s32 $0x800;
	[sflag:s18] =	ssyncadd.s32 $0xFFFFC000  }
0x1f: {  	[spmem:s1] =	stream.indirect.scatter.add.f32 [tilespmem:s17], [sflag:$0x4], $0x80, s0, s16, $0xb8;
	[tilespmem:$0x1E000] =	vst v63  }
0x20: {  	_ = 	snop  }
0x21: {  	[tilespmem:s15], [sflag:$0x2] =	stream.linear.gather [hbm4b:s10+s3], $0x1000, $0x38;
	[tilespmem:$0x1E000] =	vst v63  }
0x22: {  	s25 =	simm.s32 $0x2  }
0x23: {  	[tilespmem:s20], [sflag:$0x3] =	stream.indirect.gather [hbm4b:s4+s16], $0x80, s16, s16, $0xb8;
	[tilespmem:$0x1E000] =	vst v63  }
0x24: {  	s26 =	simm.s32 $0x0;
	s28 =	sand.u32 $0xF, s25;
	_ =	swait.ge [sflag:s18], $0x4000  }
0x25: {  	s29 =	sand.u32 $0x1, s26;
	p1 =	sne.s32 s28, $0x0;
	[sflag:s18] =	ssyncset.done $0x0  }
0x26: {  	s2 =	sand.u32 $0x4F, s25;
	s30 =	sadd.s32 @!p1 $0x1, s29;
	[sflag:s18] =	ssyncadd.s32 $0xFFFFC000  }
0x27: {  	[spmem:s1] =	stream.indirect.scatter.add.f32 [tilespmem:s20], [sflag:$0x5], $0x80, s21, s16, $0xb8;
	[tilespmem:$0x1E000] =	vst v63  }
0x28: {  	p0 =	sne.s32 s2, $0x1;
	_ =	swait.ge @!p1 [sflag:s30], $0x1000  }
0x29: {  	s25 =	sand.u32 $0x1, s25;
	s26 =	simm.s32 @!p0 $0x1;
	[sflag:s30] =	ssyncset.done @!p1 $0x0  }
0x2a: {  	s31 =	sand.u32 @!p0 $0x1, s26;
	s26 =	sor.u32 $0x4, s25;
	[sflag:s30] =	ssyncadd.s32 @!p1 $0xFFFFF000  }
0x2b: {  	s2 =	simm.s32 @!p0 $0x0;
	s30 =	sadd.s32 @!p0 $0x1000, s7;
	_ =	swait.ge [sflag:s26], $0x4000  }
0x2c: {  	s0 =	sshll.u32 @!p0 s31, $0xC;
	s30 =	sshrl.u32 @!p0 s30, $0x3;
	[sflag:s26] =	ssyncset.done $0x0  }
0x2d: {  	s31 =	sadd.s32 @!p0 $0x1, s31;
	s30 =	sadd.s32 @!p0 s5, s30;
	[sflag:s26] =	ssyncadd.s32 $0xFFFFC000  }
0x2e: {  	[tilespmem:s0], [sflag:s31] =	stream.linear.gather @!p0 [hbm4b:s30+s2], $0x1000, $0x38;
	[tilespmem:$0x1E000] =	vst v63  }
0x2f: {  	s19 =	sshll.u32 s25, $0xE;
	s25 =	sshll.u32 s29, $0xC;
	s30 =	sshll.u32 s28, $0x7  }
0x30: {  	s28 =	sor.u32 $0x2000, s19;
	s31 =	sor.u32 s30, s25  }
0x31: {  	[tilespmem:s28], [sflag:$0x3] =	stream.indirect.gather [hbm4b:s4+s16], $0x80, s31, s16, $0xb8;
	[tilespmem:$0x1E000] =	vst v63  }
0x32: {  	_ =	swait.ge [sflag:s18], $0x4000  }
0x33: {  	[sflag:s18] =	ssyncset.done $0x0  }
0x34: {  	s25 =	simm.s32 $0x3;
	s29 =	sor.u32 $0x800, s31;
	[sflag:s18] =	ssyncadd.s32 $0xFFFFC000  }
.LBB2_2:
0x35: {  	[spmem:s1] =	stream.indirect.scatter.add.f32 [tilespmem:s28], [sflag:s26], $0x80, s29, s16, $0xb8;
	[tilespmem:$0x1E000] =	vst v63  }
0x36: {  	s0 =	smov.u32 s25  }
0x37: {  	s25 =	sadd.s32 $0x1, s25;
	s2 =	sand.u32 $0x1, s0;
	s26 =	sand.u32 $0x4F, s0  }
0x38: {  	s28 =	sshrl.u32 s0, $0x4;
	s0 =	sand.u32 $0xF, s0;
	p0 =	sne.s32 s26, $0x1  }
0x39: {  	s29 =	sand.u32 $0x1, s28;
	p1 =	sne.s32 s0, $0x0;
	s26 =	sadd.s32 @!p0 $0x1, s28  }
0x3a: {  	s28 =	sadd.s32 @!p1 $0x1, s29;
	s30 =	sshll.u32 @!p0 s26, $0xC;
	s26 =	sand.u32 @!p0 $0x1, s26  }
0x3b: {  	_ =	swait.ge @!p1 [sflag:s28], $0x1000;
	s30 =	sadd.s32 @!p0 s7, s30;
	s31 =	sshll.u32 @!p0 s26, $0xC  }
0x3c: {  	s19 =	sadd.s32 @!p0 $0x1, s26;
	[sflag:s28] =	ssyncset.done @!p1 $0x0;
	s30 =	sshrl.u32 @!p0 s30, $0x3  }
0x3d: {  	s26 =	sor.u32 $0x4, s2;
	[sflag:s28] =	ssyncadd.s32 @!p1 $0xFFFFF000;
	s28 =	sadd.s32 @!p0 s5, s30  }
0x3e: {  	s29 =	sshll.u32 s29, $0xC;
	s2 =	sshll.u32 s2, $0xE;
	_ =	swait.ge [sflag:s26], $0x4000  }
0x3f: {  	p1 =	sne.s32 s25, $0x50;
	[sflag:s26] =	ssyncset.done $0x0  }
0x40: {  	s0 =	sshll.u32 s0, $0x7;
	s30 =	simm.s32 @!p0 $0x0;
	[sflag:s26] =	ssyncadd.s32 $0xFFFFC000  }
0x41: {  	[tilespmem:s31], [sflag:s19] =	stream.linear.gather @!p0 [hbm4b:s28+s30], $0x1000, $0x38;
	[tilespmem:$0x1E000] =	vst v63  }
.Ltmp0:
0x42: {  	s0 =	sor.u32 s0, s29;
	s28 =	sor.u32 $0x2000, s2;
	(pc) =	sbr.rel @p1 .LBB2_2-.Ltmp0, $4  }
0x43: {  	[tilespmem:s28], [sflag:$0x3] =	stream.indirect.gather [hbm4b:s4+s16], $0x80, s0, s16, $0xb8;
	[tilespmem:$0x1E000] =	vst v63  }
0x44: {  	_ =	swait.ge [sflag:s18], $0x4000  }
0x45: {  	[sflag:s18] =	ssyncset.done $0x0  }
0x46: {  	s29 =	sor.u32 $0x800, s0;
	[sflag:s18] =	ssyncadd.s32 $0xFFFFC000  }
0x47: {  	[spmem:s1] =	stream.indirect.scatter.add.f32 [tilespmem:s28], [sflag:s26], $0x80, s29, s16, $0xb8;
	[tilespmem:$0x1E000] =	vst v63  }
0x48: {  	_ =	swait.ge [sflag:s22], $0x4000  }
0x49: {  	[sflag:s22] =	ssyncset.done $0x0  }
0x4a: {  	[sflag:s22] =	ssyncadd.s32 $0xFFFFC000  }
0x4b: {  	_ =	swait.ge [sflag:s23], $0x4000  }
0x4c: {  	s24 =	sadd.s32 $0x1, s24;
	[sflag:s23] =	ssyncset.done $0x0  }
0x4d: {  	p0 =	sne.s32 s24, s12;
	[sflag:s23] =	ssyncadd.s32 $0xFFFFC000  }
.Ltmp1:
0x4e: {  	[bflag:$0x0] =	sbarrier.arrive $0xFFFF;
	(pc) =	sbr.rel @p0 .LBB2_1-.Ltmp1, $4  }
0x4f: {  	[hbm:s11], [sflag:s8] =	dma.local [spmem:s13], $0x2800  }
0x50: {  	_ =	swait.ge [sflag:s14], $0x2800  }
0x51: {  	[sflag:s14] =	ssyncset.done $0x0  }
0x52: {  	[sflag:s14] =	ssyncadd.s32 $0xFFFFD800  }
0x53: {  	_ =	sfence.sel $0x180000  }
0x54: {  	[bflag:$0x0] =	sbarrier.arrive $0xFFFF  }
0x55: {  	_ =	strace $0x9000004D  }
0x56: {  	s0 =	stileid.u32;
	[bflag:$0x2] =	sbarrier.arrive $0xFFFF  }
0x57: {  	p0 =	sne.s32 s0, $0x0;
	s0 =	rddreg [dreg:$0x2]  }
0x58: {  	s0 =	sadd.s32 @!p0 $0x100000, s0  }
0x59: {  	[sflag:s0] =	ssyncadd.tile.s32 @!p0 $0x1;
	_ =	shalt  }
.Lfunc_end2:
_tile_overlayer_lowered:
.L_overlay_start_2:
0x5a: {  	(tag) =	ssettag $0x2  }
0x5b: {  	s0 =	rddreg [dreg:$0x0];
	s2 =	stileid.u32  }
0x5c: {  	s1 =	rddreg [dreg:$0x1];
	p0 =	sne.s32 s2, $0x0  }
0x5d: {  	s3 =	rddreg [dreg:$0x2];
	[bflag:$0x3] =	sbarrier.arrive $0xFFFF;
	s2 =	simm.s32 @!p0 $0x1C06  }
0x5e: {  	[timem:s3], [sflag:s2] =	dma.local @!p0 [hbm:s0], s1  }
0x5f: {  	s0 =	simm.s32 @!p0 $0x6  }
0x60: {  	_ =	swait.ge @!p0 [sflag:s0], s1  }
0x61: {  	s1 =	ssub.s32 @!p0 $0x0, s1;
	[sflag:s0] =	ssyncset.done @!p0 $0x0  }
0x62: {  	[sflag:s0] =	ssyncadd.s32 @!p0 s1  }
0x63: {  	[bflag:$0x3] =	sbarrier.arrive $0xFFFF  }
0x64: {  	_ =	shalt  }

// kernel: kernel.8.cloned.1.call-start
scs
__scs_entry_jumppad:
0x0: {  	(pc) =	sbr.rel $0x88, $3  }
0x1: {  	(tag) =	ssettag $0x0;
	lr =	simm.s32 $0x1  }
0x2: {  	[smem:$0x3F94] =	sst lr;
	_ =	strace $0xD0000000  }
0x3: {  	_ = 	snop  }
0x4: {  	_ = 	snop  }
0x5: {  	_ = 	snop  }
0x6: {  	_ = 	snop  }
0x7: {  	_ = 	snop  }
__scs_overlays_trampoline_lowered:
0x8: {  	[smem:$0x3FA3] =	sst s0  }
0x9: {  	[smem:$0x3FA4] =	sst s1  }
0xa: {  	[smem:$0x3FA5] =	sst s2  }
0xb: {  	[smem:$0x3FA6] =	sst s3  }
0xc: {  	[smem:$0x3FA7] =	sst s4  }
0xd: {  	[smem:$0x3FA8] =	sst s5  }
0xe: {  	[smem:$0x3FA9] =	sst s6  }
0xf: {  	[smem:$0x3FAA] =	sst s7  }
0x10: {  	[smem:$0x3FAB] =	sst s8  }
0x11: {  	[smem:$0x3FAC] =	sst s9;
	s0 =	simm.s32 @!p0 $0x0  }
0x12: {  	s1 =	sld [smem:$0x3F92];
	s0 =	simm.s32 @p0 $0x1  }
0x13: {  	[smem:$0x3FAD] =	sst s0;
	s0 =	simm.s32 @!p1 $0x0  }
0x14: {  	s2 =	sld [smem:$0x3F91];
	s0 =	simm.s32 @p1 $0x1  }
0x15: {  	[smem:$0x3FAE] =	sst s0;
	s0 =	simm.s32 @!p2 $0x0  }
0x16: {  	s3 =	sld [smem:$0x3FDB];
	s0 =	simm.s32 @p2 $0x1  }
0x17: {  	s4 =	simm.s32 $0x1BF5;
	[smem:$0x3FB0] =	sst s0  }
0x18: {  	s0 =	sld [smem:$0x3F93];
	_ =	swait.ge [sflag:s4], $0x0  }
0x19: {  	s7 =	sld [smem:$0x3F94]  }
0x1a: {  	s8 =	sadd.s32 $0xFFFFE003, lr  }
0x1b: {  	s9 =	sadd.s32 $0xFFFFFEF7, lr;
	s5 =	simm.s32 $0xFFFFFFFF;
	p2 =	slt.u32 s8, $0xFFFFF086  }
0x1c: {  	p1 =	slt.u32 s9, $0xF7A;
	s5 =	simm.s32 @!p2 $0x0  }
0x1d: {  	s5 =	simm.s32 @p1 $0x1;
	p0 =	seq.s32 s7, s2  }
0x1e: {  	s7 =	smul.u32 @!p0 $0xF7A, s2;
	p2 =	seq.s32 @!p0 s5, $0x0  }
0x1f: {  	s9 =	smul.u32 $0xF7A, s1;
	s8 =	simm.s32 @!p0 $0x1BF5;
	p2 =	por !p2, p0  }
0x20: {  	[sflag:s8] =	ssyncset.s32 @!p0 $0xFFFFF086;
	s6 =	sadd.s32 @!p0 s3, s7;
	s7 =	simm.s32 @!p0 $0x108  }
0x21: {  	s3 =	sadd.s32 s3, s9;
	s6 =	sadd.s32 @!p0 $0x88, s6;
	s7 =	simm.s32 @p2 $0x1082  }
0x22: {  	[simem:s7], [sflag:s8] =	dma.local @!p0 [hbm:s6], $0xF7A  }
0x23: {  	s9 =	sor.u32 $0xD0000000, s2;
	s6 =	simm.s32 $0x108;
	_ =	swait.ge @!p0 [sflag:s8], $0x0  }
0x24: {  	s3 =	sadd.s32 $0x88, s3;
	s6 =	simm.s32 @!p1 $0x1082;
	[sflag:s4] =	ssyncset.s32 $0xFFFFF086  }
0x25: {  	[simem:s6], [sflag:s4] =	dma.local [hbm:s3], $0xF7A  }
0x26: {  	[smem:$0x3F94] =	sst s1;
	(tag) =	ssettag s2;
	_ =	strace s9  }
0x27: {  	s1 =	sld [smem:$0x3FA4]  }
0x28: {  	s2 =	sld [smem:$0x3FA5]  }
0x29: {  	s4 =	sld [smem:$0x3FA7]  }
0x2a: {  	p0 =	seq.s32 s5, $0x0;
	s5 =	sld [smem:$0x3FA8]  }
0x2b: {  	s6 =	sld [smem:$0x3FA9]  }
0x2c: {  	s7 =	sld [smem:$0x3FAA]  }
0x2d: {  	s3 =	simm.s32 $0x108;
	s8 =	sld [smem:$0x3FAB]  }
0x2e: {  	s3 =	simm.s32 @!p0 $0x1082;
	s9 =	sld [smem:$0x3FAC]  }
0x2f: {  	lr =	sadd.s32 s0, s3;
	s0 =	sld [smem:$0x3FA3]  }
0x30: {  	s3 =	sld [smem:$0x3FA6]  }
0x31: {  	[smem:$0x3FAF] =	sst s10  }
0x32: {  	s10 =	sld [smem:$0x3FAD];
	_ =	sdelay $0x3  }
0x33: {  	p0 =	seq.s32 s10, $0x1;
	s10 =	sld [smem:$0x3FAF];
	_ =	sdelay $0x3  }
0x34: {  	[smem:$0x3FAF] =	sst s10  }
0x35: {  	s10 =	sld [smem:$0x3FAE];
	_ =	sdelay $0x3  }
0x36: {  	p1 =	seq.s32 s10, $0x1;
	s10 =	sld [smem:$0x3FAF];
	_ =	sdelay $0x3  }
0x37: {  	[smem:$0x3FAF] =	sst s10  }
0x38: {  	s10 =	sld [smem:$0x3FB0]  }
0x39: {  	_ = 	snop;
	(pc) =	sbr.ind lr, $3  }
0x3a: {  	_ = 	snop  }
0x3b: {  	_ = 	snop  }
0x3c: {  	p2 =	seq.s32 s10, $0x1;
	s10 =	sld [smem:$0x3FAF]  }
0x3d: {  	_ =	shalt  }
0x3e: {  	_ =	shalt  }
0x3f: {  	_ =	shalt  }
0x40: {  	_ =	shalt  }
0x41: {  	_ =	shalt  }
0x42: {  	_ =	shalt  }
0x43: {  	_ =	shalt  }
0x44: {  	_ =	shalt  }
0x45: {  	_ =	shalt  }
0x46: {  	_ =	shalt  }
0x47: {  	_ =	shalt  }
0x48: {  	_ =	shalt  }
0x49: {  	_ =	shalt  }
0x4a: {  	_ =	shalt  }
0x4b: {  	_ =	shalt  }
0x4c: {  	_ =	shalt  }
0x4d: {  	_ =	shalt  }
0x4e: {  	_ =	shalt  }
0x4f: {  	_ =	shalt  }
0x50: {  	_ =	shalt  }
0x51: {  	_ =	shalt  }
0x52: {  	_ =	shalt  }
0x53: {  	_ =	shalt  }
0x54: {  	_ =	shalt  }
0x55: {  	_ =	shalt  }
0x56: {  	_ =	shalt  }
0x57: {  	_ =	shalt  }
0x58: {  	_ =	shalt  }
0x59: {  	_ =	shalt  }
0x5a: {  	_ =	shalt  }
0x5b: {  	_ =	shalt  }
0x5c: {  	_ =	shalt  }
0x5d: {  	_ =	shalt  }
0x5e: {  	_ =	shalt  }
0x5f: {  	_ =	shalt  }
0x60: {  	_ =	shalt  }
0x61: {  	_ =	shalt  }
0x62: {  	_ =	shalt  }
0x63: {  	_ =	shalt  }
0x64: {  	_ =	shalt  }
0x65: {  	_ =	shalt  }
0x66: {  	_ =	shalt  }
0x67: {  	_ =	shalt  }
0x68: {  	_ =	shalt  }
0x69: {  	_ =	shalt  }
0x6a: {  	_ =	shalt  }
0x6b: {  	_ =	shalt  }
0x6c: {  	_ =	shalt  }
0x6d: {  	_ =	shalt  }
0x6e: {  	_ =	shalt  }
0x6f: {  	_ =	shalt  }
0x70: {  	_ =	shalt  }
0x71: {  	_ =	shalt  }
0x72: {  	_ =	shalt  }
0x73: {  	_ =	shalt  }
0x74: {  	_ =	shalt  }
0x75: {  	_ =	shalt  }
0x76: {  	_ =	shalt  }
0x77: {  	_ =	shalt  }
0x78: {  	_ =	shalt  }
0x79: {  	_ =	shalt  }
0x7a: {  	_ =	shalt  }
0x7b: {  	_ =	shalt  }
0x7c: {  	_ =	shalt  }
0x7d: {  	_ =	shalt  }
0x7e: {  	_ =	shalt  }
0x7f: {  	_ =	shalt  }
0x80: {  	_ =	shalt  }
0x81: {  	_ =	shalt  }
0x82: {  	_ =	shalt  }
0x83: {  	_ =	shalt  }
0x84: {  	_ =	shalt  }
0x85: {  	_ =	shalt  }
0x86: {  	_ =	shalt  }
0x87: {  	_ =	shalt  }
.Lfunc_end0:
.L_simem_size_0:
called_computation_lowered:
.L_overlay_start_0:
0x88: {  	s2 =	sld [smem:$0x3FD9]  }
0x89: {  	s3 =	sld [smem:$0x3FFE];
	_ =	sdelay $0x1  }
0x8a: {  	s1 =	srdreg.scid  }
0x8b: {  	s0 =	sand.u32 $0x1, s1  }
0x8c: {  	s16 =	sshll.u32 s0, $0xA;
	s2 =	sadd.s32 s3, s2  }
0x8d: {  	s2 =	sadd.s32 s2, s16  }
0x8e: {  	[smem:$0x3FBB] =	sst s2  }
0x8f: {  	_ = 	snop  }
0x90: {  	(tm) =	ssettm $0x1  }
0x91: {  	s17 =	sld [smem:$0x3FFB];
	_ =	sdelay $0x3  }
0x92: {  	_ =	strace s17  }
0x93: {  	s2 =	sld [smem:$0x3FFC];
	_ =	sdelay $0x3  }
0x94: {  	_ =	strace s2  }
0x95: {  	s2 =	sld [smem:$0x3FFD];
	_ =	sdelay $0x3  }
0x96: {  	_ =	strace s2  }
0x97: {  	_ =	strace $0x8FFFFFFF  }
0x98: {  	s18 =	sld [smem:$0x3FDB];
	_ =	sdelay $0x1  }
0x99: {  	s19 =	simm.s32 $_scs_section_size  }
0x9a: {  	s4 =	simm.s32 $_size__tile_overlayer_lowered;
	s5 =	simm.s32 $_tile_overlayer_lowered  }
0x9b: {  	s22 =	simm.s32 $0x1BFF;
	s21 =	sshll.u32 s5, $0x1;
	s2 =	sadd.s32 s19, s18  }
0x9c: {  	s6 =	simm.s32 $0x0;
	s20 =	sshll.u32 s4, $0x1;
	s4 =	sadd.s32 s21, s2  }
0x9d: {  	[timem:s6], [sflag:s22] =	dma.local [hbm:s4], s20  }
0x9e: {  	_ =	swait.ge [sflag:s22], s20  }
0x9f: {  	s3 =	ssub.s32 $0x0, s20;
	[sflag:s22] =	ssyncset.done $0x0  }
0xa0: {  	[sflag:s22] =	ssyncadd.s32 s3;
	_ =	sdelay $0x1  }
0xa1: {  	s23 =	simm.s32 $0x1B8B  }
0xa2: {  	_ =	swait.ge [sflag:s23], $0x1  }
0xa3: {  	[sflag:s23] =	ssyncset.done $0x0  }
0xa4: {  	s25 =	simm.s32 $0x1B8E;
	s24 =	sld [smem:$0x3FFE];
	[sflag:s23] =	ssyncadd.s32 $0xFFFFFFFF  }
0xa5: {  	s26 =	simm.s32 $execute0_lowered;
	[smem:$0x3FD2] =	sst s25  }
0xa6: {  	s4 =	sshll.u32 s26, $0x1;
	_ =	strace $0x80000046;
	[dreg:$0x1] =	wrdreg $0xFFFFFFFF  }
0xa7: {  	s28 =	simm.s32 $_size_execute0_lowered;
	s2 =	sadd.s32 s2, s4;
	[dreg:$0x0] =	wrdreg $0x0  }
0xa8: {  	s4 =	sshll.u32 s28, $0x1;
	[dreg:$0x2] =	wrdreg s2  }
0xa9: {  	[dreg:$0x3] =	wrdreg s4  }
0xaa: {  	[dreg:$0x4] =	wrdreg $0xC0  }
0xab: {  	_ =	task [dreg:s6], $0x5FFFF  }
0xac: {  	[dreg:$0x1] =	wrdreg $0xFFFFFFFF  }
0xad: {  	[dreg:$0x0] =	wrdreg $0x60  }
0xae: {  	[dreg:$0x2] =	wrdreg s24  }
0xaf: {  	[dreg:$0x3] =	wrdreg $0x68000  }
0xb0: {  	[dreg:$0x4] =	wrdreg $0x9  }
0xb1: {  	_ =	task.clear_ibuf [dreg:s6], $0x5FFFF;
	_ =	strace $0x90000046  }
0xb2: {  	s29 =	simm.s32 $0x9;
	_ =	strace $0x80000048  }
0xb3: {  	_ =	swait.ge [sflag:s29], $0x1  }
0xb4: {  	[sflag:s29] =	ssyncadd.s32 $0xFFFFFFFF  }
0xb5: {  	_ =	strace $0x90000048  }
0xb6: {  	_ =	sfence  }
0xb7: {  	s30 =	sld [smem:$0x0];
	_ =	sdelay $0x2  }
0xb8: {  	s31 =	sshll.u32 s1, $0xD;
	s1 =	sshrl.u32 s1, $0x2  }
0xb9: {  	s3 =	sand.u32 $0x4000, s31;
	s1 =	sadd.s32 s1, s30  }
0xba: {  	s0 =	sor.u32 s3, s0;
	s1 =	sshll.u32 s1, $0x11  }
0xbb: {  	s0 =	sor.u32 s1, s0  }
0xbc: {  	s0 =	sadd.s32 $0x8F2B, s0  }
0xbd: {  	[sflag:s0] =	ssyncadd.remote.s32 $0x1  }
0xbe: {  	_ =	sfence.sel $0xFFFF  }
0xbf: {  	[dreg:$0x0] =	wrdreg $0xFFFFFFFF;
	(pc) =	sbr.abs _section_cstart, $3  }
0xc0: {  	[dreg:$0x1] =	wrdreg $0xFFFFFFFF  }
0xc1: {  	_ =	task.clear_ibuf [dreg:s6], $0x2FFFF;
	_ =	strace $0x9FFFFFFF  }
0xc2: {  	(tm) =	ssettm $0x7FFFFFFF  }
0xc3: {  	_ =	shalt  }
tec
execute0_lowered:
.L_overlay_start_1:
0x0: {  	(tag) =	ssettag $0x1  }
0x1: {  	s6 =	rddreg [dreg:$0x0]  }
0x2: {  	s2 =	rddreg [dreg:$0x1]  }
0x3: {  	s0 =	srdreg.scid;
	s1 =	rddreg [dreg:$0x2];
	s3 =	simm.s32 $0x0  }
0x4: {  	s15 =	simm.s32 $0x80;
	s16 =	simm.s32 $0x1;
	s17 =	simm.s32 $0x2  }
0x5: {  	s18 =	simm.s32 $0x3;
	s19 =	simm.s32 $0x4;
	s5 =	sand.u32 $0x1, s0  }
0x6: {  	s20 =	simm.s32 $0x5;
	s0 =	stileid.u32;
	s4 =	smul.u32 $0x50000, s5  }
0x7: {  	s21 =	simm.s32 $0x6;
	s22 =	simm.s32 $0x7;
	s7 =	smul.u32 $0x2800, s0  }
0x8: {  	s23 =	simm.s32 $0x8;
	[smem:$0x7FF] =	sst s3;
	s29 =	smul.u32 $0x280000, s5  }
0x9: {  	s24 =	simm.s32 $0x0;
	s8 =	smul.u32 $0x14000, s0;
	_ =	strace $0x80000047  }
0xa: {  	s30 =	ssub.s32 $0x2, s5;
	s10 =	smul.u32 $0x50000, s0;
	s13 =	sshll.u32 s0, $0x6  }
0xb: {  	s5 =	sadd.s32 $0x15A00, s6;
	s11 =	sshrl.u32 s30, $0x1;
	s13 =	sor.u32 $0x1C09, s13  }
0xc: {  	s4 =	sadd.s32 s7, s4;
	s7 =	sadd.s32 s8, s29;
	s11 =	ssub.s32 s30, s11  }
0xd: {  	s31 =	sshrl.u32 s10, $0x2;
	s4 =	sshrl.u32 s4, $0x3;
	s7 =	sshrl.u32 s7, $0x3  }
0xe: {  	s14 =	sadd.s32 s31, s2;
	s10 =	smax.u32 s11, $0x1;
	s11 =	simm.s32 $0x2800  }
0xf: {  	s9 =	sadd.s32 s4, s6;
	s4 =	sadd.s32 $0x18200, s6;
	s12 =	sadd.s32 s7, s6  }
0x10: {  	s14 =	sshrl.u32 s14, $0x3;
	s6 =	sadd.s32 $0x1A00, s9;
	s7 =	sadd.s32 $0x18A00, s12  }
0x11: {  	s8 =	sadd.s32 $0x6A00, s9;
	s9 =	sadd.s32 $0x40A00, s12;
	s12 =	simm.s32 $0x9  }
.LBB2_1:
0x12: {  	[tilespmem:s11], [sflag:$0x9] =	stream.linear.gather [hbm4b:s4+s3], $0x4000, $0x38;
	[tilespmem:$0x1A800] =	vst v63  }
0x13: {  	_ =	swait.ge [sflag:s12], $0x4000  }
0x14: {  	[sflag:s12] =	ssyncset.done $0x0  }
0x15: {  	[sflag:s12] =	ssyncadd.s32 $0xFFFFC000  }
0x16: {  	[spmem:s14], [sflag:s13] =	dma.local [hbm:s5], $0x2800  }
0x17: {  	_ =	swait.ge [sflag:s12], $0x2800  }
0x18: {  	[sflag:s12] =	ssyncset.done $0x0  }
0x19: {  	[sflag:s12] =	ssyncadd.s32 $0xFFFFD800  }
0x1a: {  	[tilespmem:s3], [sflag:$0x9] =	stream.linear.gather [hbm4b:s6+s3], $0x2800, $0x38;
	[tilespmem:$0x1A800] =	vst v63  }
0x1b: {  	_ =	swait.ge [sflag:s12], $0x2800  }
0x1c: {  	[sflag:s12] =	ssyncset.done $0x0  }
0x1d: {  	s26 =	sand.u32 $0x7, s3;
	p0 =	por $0x1, $0x1;
	[sflag:s12] =	ssyncadd.s32 $0xFFFFD800  }
0x1e: {  	s28 =	sadd.s32 @!p0 $0x1, s26;
	[bflag:$0x0] =	sbarrier.arrive $0xFFFF  }
0x1f: {  	_ =	swait.ge @!p0 [sflag:s28], $0x4000  }
0x20: {  	s25 =	simm.s32 $0x1;
	s29 =	sadd.s32 $0x1, s26;
	[sflag:s28] =	ssyncset.done @!p0 $0x0  }
0x21: {  	s26 =	simm.s32 $0x80;
	[sflag:s28] =	ssyncadd.s32 @!p0 $0xFFFFC000;
	s28 =	simm.s32 $0x0  }
.LBB2_2:
0x22: {  	[spmem:s2] =	stream.indirect.scatter.add.f32 [tilespmem:s11], [sflag:s29], $0x80, s28, s15, $0xb8;
	[tilespmem:$0x1A800] =	vst v63  }
0x23: {  	s29 =	sand.u32 $0x7, s25;
	p0 =	slt.u32 s25, $0x8;
	s25 =	sadd.s32 $0x1, s25  }
0x24: {  	p1 =	sne.s32 s25, $0x50  }
.Ltmp0:
0x25: {  	(pc) =	sbr.rel @p1 .LBB2_2-.Ltmp0, $4  }
0x26: {  	s28 =	smov.u32 s26;
	s30 =	sadd.s32 @!p0 $0x1, s29  }
0x27: {  	_ =	swait.ge @!p0 [sflag:s30], $0x4000  }
0x28: {  	[sflag:s30] =	ssyncset.done @!p0 $0x0  }
0x29: {  	s26 =	sadd.s32 $0x80, s26;
	s29 =	sadd.s32 $0x1, s29;
	[sflag:s30] =	ssyncadd.s32 @!p0 $0xFFFFC000  }
0x2a: {  	[spmem:s2] =	stream.indirect.scatter.add.f32 [tilespmem:s11], [sflag:s29], $0x80, s28, s15, $0xb8;
	[tilespmem:$0x1A800] =	vst v63  }
0x2b: {  	_ =	swait.ge [sflag:s16], $0x4000  }
0x2c: {  	[sflag:s16] =	ssyncset.done $0x0  }
0x2d: {  	[sflag:s16] =	ssyncadd.s32 $0xFFFFC000  }
0x2e: {  	_ =	swait.ge [sflag:s17], $0x4000  }
0x2f: {  	[sflag:s17] =	ssyncset.done $0x0  }
0x30: {  	[sflag:s17] =	ssyncadd.s32 $0xFFFFC000  }
0x31: {  	_ =	swait.ge [sflag:s18], $0x4000  }
0x32: {  	[sflag:s18] =	ssyncset.done $0x0  }
0x33: {  	[sflag:s18] =	ssyncadd.s32 $0xFFFFC000  }
0x34: {  	_ =	swait.ge [sflag:s19], $0x4000  }
0x35: {  	[sflag:s19] =	ssyncset.done $0x0  }
0x36: {  	[sflag:s19] =	ssyncadd.s32 $0xFFFFC000  }
0x37: {  	_ =	swait.ge [sflag:s20], $0x4000  }
0x38: {  	[sflag:s20] =	ssyncset.done $0x0  }
0x39: {  	[sflag:s20] =	ssyncadd.s32 $0xFFFFC000  }
0x3a: {  	_ =	swait.ge [sflag:s21], $0x4000  }
0x3b: {  	[sflag:s21] =	ssyncset.done $0x0  }
0x3c: {  	[sflag:s21] =	ssyncadd.s32 $0xFFFFC000  }
0x3d: {  	_ =	swait.ge [sflag:s22], $0x4000  }
0x3e: {  	[sflag:s22] =	ssyncset.done $0x0  }
0x3f: {  	[sflag:s22] =	ssyncadd.s32 $0xFFFFC000  }
0x40: {  	_ =	swait.ge [sflag:s23], $0x4000  }
0x41: {  	[sflag:s23] =	ssyncset.done $0x0  }
0x42: {  	[sflag:s23] =	ssyncadd.s32 $0xFFFFC000  }
0x43: {  	[bflag:$0x0] =	sbarrier.arrive $0xFFFF  }
0x44: {  	[hbm:s7], [sflag:s13] =	dma.local [spmem:s14], $0x2800  }
0x45: {  	_ =	swait.ge [sflag:s12], $0x2800  }
0x46: {  	[sflag:s12] =	ssyncset.done $0x0  }
0x47: {  	[sflag:s12] =	ssyncadd.s32 $0xFFFFD800  }
0x48: {  	[spmem:s14], [sflag:s13] =	dma.local [hbm:s5], $0x2800  }
0x49: {  	_ =	swait.ge [sflag:s12], $0x2800  }
0x4a: {  	[sflag:s12] =	ssyncset.done $0x0  }
0x4b: {  	s25 =	simm.s32 $0x0;
	[sflag:s12] =	ssyncadd.s32 $0xFFFFD800  }
0x4c: {  	[tilespmem:s25], [sflag:$0x9] =	stream.linear.gather [hbm4b:s8+s25], $0x2800, $0x38;
	[tilespmem:$0x1A800] =	vst v63  }
0x4d: {  	_ =	swait.ge [sflag:s12], $0x2800  }
0x4e: {  	[sflag:s12] =	ssyncset.done $0x0  }
0x4f: {  	p0 =	por $0x1, $0x1;
	s28 =	sand.u32 $0x7, s25;
	[sflag:s12] =	ssyncadd.s32 $0xFFFFD800  }
0x50: {  	s29 =	sadd.s32 @!p0 $0x1, s28;
	[bflag:$0x0] =	sbarrier.arrive $0xFFFF  }
0x51: {  	_ =	swait.ge @!p0 [sflag:s29], $0x4000  }
0x52: {  	s26 =	simm.s32 $0x1;
	[sflag:s29] =	ssyncset.done @!p0 $0x0  }
0x53: {  	[sflag:s29] =	ssyncadd.s32 @!p0 $0xFFFFC000;
	s29 =	sadd.s32 $0x1, s28;
	s28 =	simm.s32 $0x80  }
.LBB2_4:
0x54: {  	[spmem:s2] =	stream.indirect.scatter.add.f32 [tilespmem:s11], [sflag:s29], $0x80, s25, s15, $0xb8;
	[tilespmem:$0x1A800] =	vst v63  }
0x55: {  	s29 =	sand.u32 $0x7, s26;
	p0 =	slt.u32 s26, $0x8;
	s26 =	sadd.s32 $0x1, s26  }
0x56: {  	p1 =	sne.s32 s26, $0x50  }
.Ltmp1:
0x57: {  	(pc) =	sbr.rel @p1 .LBB2_4-.Ltmp1, $4  }
0x58: {  	s25 =	smov.u32 s28;
	s30 =	sadd.s32 @!p0 $0x1, s29  }
0x59: {  	_ =	swait.ge @!p0 [sflag:s30], $0x4000  }
0x5a: {  	[sflag:s30] =	ssyncset.done @!p0 $0x0  }
0x5b: {  	s28 =	sadd.s32 $0x80, s28;
	s29 =	sadd.s32 $0x1, s29;
	[sflag:s30] =	ssyncadd.s32 @!p0 $0xFFFFC000  }
0x5c: {  	[spmem:s2] =	stream.indirect.scatter.add.f32 [tilespmem:s11], [sflag:s29], $0x80, s25, s15, $0xb8;
	[tilespmem:$0x1A800] =	vst v63  }
0x5d: {  	_ =	swait.ge [sflag:s16], $0x4000  }
0x5e: {  	[sflag:s16] =	ssyncset.done $0x0  }
0x5f: {  	[sflag:s16] =	ssyncadd.s32 $0xFFFFC000  }
0x60: {  	_ =	swait.ge [sflag:s17], $0x4000  }
0x61: {  	[sflag:s17] =	ssyncset.done $0x0  }
0x62: {  	[sflag:s17] =	ssyncadd.s32 $0xFFFFC000  }
0x63: {  	_ =	swait.ge [sflag:s18], $0x4000  }
0x64: {  	[sflag:s18] =	ssyncset.done $0x0  }
0x65: {  	[sflag:s18] =	ssyncadd.s32 $0xFFFFC000  }
0x66: {  	_ =	swait.ge [sflag:s19], $0x4000  }
0x67: {  	[sflag:s19] =	ssyncset.done $0x0  }
0x68: {  	[sflag:s19] =	ssyncadd.s32 $0xFFFFC000  }
0x69: {  	_ =	swait.ge [sflag:s20], $0x4000  }
0x6a: {  	[sflag:s20] =	ssyncset.done $0x0  }
0x6b: {  	[sflag:s20] =	ssyncadd.s32 $0xFFFFC000  }
0x6c: {  	_ =	swait.ge [sflag:s21], $0x4000  }
0x6d: {  	[sflag:s21] =	ssyncset.done $0x0  }
0x6e: {  	[sflag:s21] =	ssyncadd.s32 $0xFFFFC000  }
0x6f: {  	_ =	swait.ge [sflag:s22], $0x4000  }
0x70: {  	[sflag:s22] =	ssyncset.done $0x0  }
0x71: {  	[sflag:s22] =	ssyncadd.s32 $0xFFFFC000  }
0x72: {  	_ =	swait.ge [sflag:s23], $0x4000  }
0x73: {  	s24 =	sadd.s32 $0x1, s24;
	[sflag:s23] =	ssyncset.done $0x0  }
0x74: {  	p0 =	sne.s32 s24, s10;
	[sflag:s23] =	ssyncadd.s32 $0xFFFFC000  }
.Ltmp2:
0x75: {  	[bflag:$0x0] =	sbarrier.arrive $0xFFFF;
	(pc) =	sbr.rel @p0 .LBB2_1-.Ltmp2, $4  }
0x76: {  	[hbm:s9], [sflag:s13] =	dma.local [spmem:s14], $0x2800  }
0x77: {  	_ =	swait.ge [sflag:s12], $0x2800  }
0x78: {  	[sflag:s12] =	ssyncset.done $0x0  }
0x79: {  	[sflag:s12] =	ssyncadd.s32 $0xFFFFD800  }
0x7a: {  	_ =	sfence.sel $0x180000  }
0x7b: {  	[bflag:$0x0] =	sbarrier.arrive $0xFFFF  }
0x7c: {  	p0 =	sne.s32 s0, $0x0;
	_ =	strace $0x90000047  }
0x7d: {  	s0 =	sadd.s32 @!p0 $0x100000, s1;
	[bflag:$0x2] =	sbarrier.arrive $0xFFFF  }
0x7e: {  	[sflag:s0] =	ssyncadd.tile.s32 @!p0 $0x1;
	_ =	shalt  }
.Lfunc_end2:
_tile_overlayer_lowered:
.L_overlay_start_2:
0x7f: {  	(tag) =	ssettag $0x2  }
0x80: {  	s0 =	rddreg [dreg:$0x0];
	s2 =	stileid.u32  }
0x81: {  	s1 =	rddreg [dreg:$0x1];
	p0 =	sne.s32 s2, $0x0  }
0x82: {  	s3 =	rddreg [dreg:$0x2];
	[bflag:$0x3] =	sbarrier.arrive $0xFFFF;
	s2 =	simm.s32 @!p0 $0x1C09  }
0x83: {  	[timem:s3], [sflag:s2] =	dma.local @!p0 [hbm:s0], s1  }
0x84: {  	s0 =	simm.s32 @!p0 $0x9  }
0x85: {  	_ =	swait.ge @!p0 [sflag:s0], s1  }
0x86: {  	s1 =	ssub.s32 @!p0 $0x0, s1;
	[sflag:s0] =	ssyncset.done @!p0 $0x0  }
0x87: {  	[sflag:s0] =	ssyncadd.s32 @!p0 s1  }
0x88: {  	[bflag:$0x3] =	sbarrier.arrive $0xFFFF  }
0x89: {  	_ =	shalt  }

</sc_bundles>
